<compile_context>
chip_gen: v7x
topology: tpu7x:2x2x1
jax: 0.10.2.dev20260603
libtpu: 0.0.44.dev20260713+nightly
codegen_flags: <defaults>
</compile_context>

<pallas_src>
import functools

import jax
import jax.numpy as jnp
from jax import lax
from jax.experimental import pallas as pl
from jax.experimental.pallas import tpu as pltpu
from jax.experimental.pallas import tpu_sc as plsc

B0, B1 = 16384, 20
D = 128
B = B0 * B1
NC, NS = 2, 16
NW = NC * NS
BPW = B // NW
IW = 128
IRPW = BPW // IW
CW = 128
NISS = CW // IW
NCH = BPW // CW
NBUF = 4
NG = NCH // NBUF

_mesh = plsc.VectorSubcoreMesh(core_axis_name="c", subcore_axis_name="s")


@functools.partial(
    pl.kernel,
    mesh=_mesh,
    out_type=jax.ShapeDtypeStruct((B1, B0, D), jnp.float32),
    scratch_types=[pltpu.VMEM((IRPW, IW), jnp.int32)]
    + [pltpu.VMEM((CW, D), jnp.float32) for _ in range(NBUF)]
    + [pltpu.SemaphoreType.DMA for _ in range(2 * NBUF)],
)
def _gather(table_hbm, idx_hbm, out_hbm, idx_v, *bufs_sems):
    bufs = bufs_sems[:NBUF]
    gsem = bufs_sems[NBUF:2 * NBUF]
    osem = bufs_sems[2 * NBUF:]

    wid = lax.axis_index("s") * NC + lax.axis_index("c")
    row_base = pl.multiple_of(wid * BPW, BPW)
    irow_base = pl.multiple_of(wid * IRPW, IRPW)

    pltpu.sync_copy(idx_hbm.at[pl.ds(irow_base, IRPW)], idx_v)

    def fire_gather(k, b):
        for j in range(NISS):
            pltpu.async_copy(
                table_hbm.at[idx_v.at[k * NISS + j]],
                bufs[b].at[pl.ds(j * IW, IW)],
                gsem[b],
            )

    def wait_gather(k, b):
        for j in range(NISS):
            pltpu.make_async_copy(
                table_hbm.at[idx_v.at[k * NISS + j]],
                bufs[b].at[pl.ds(j * IW, IW)],
                gsem[b],
            ).wait()

    def _dst(k):
        off = row_base + k * CW
        p = off // B0
        col = pl.multiple_of(off - p * B0, CW)
        return out_hbm.at[p, pl.ds(col, CW)]

    def fire_wb(k, b):
        pltpu.async_copy(bufs[b], _dst(k), osem[b])

    def wait_wb(k, b):
        pltpu.make_async_copy(bufs[b], _dst(k), osem[b]).wait()

    for b in range(NBUF):
        fire_gather(b, b)

    def ring_round(p, carry):
        for b in range(NBUF):
            k = p * NBUF + b
            wait_gather(k, b)
            fire_wb(k, b)
            wait_wb(k, b)
            fire_gather(k + NBUF, b)
        return carry

    lax.fori_loop(0, NG - 1, ring_round, 0)

    for b in range(NBUF):
        k = (NG - 1) * NBUF + b
        wait_gather(k, b)
        fire_wb(k, b)
    for b in range(NBUF):
        k = (NG - 1) * NBUF + b
        wait_wb(k, b)


def kernel(id, ttaEncoding):
    idx2 = jnp.swapaxes(id.astype(jnp.int32), 0, 1).reshape(B // IW, IW)
    out = _gather(ttaEncoding, idx2)
    return jnp.swapaxes(out, 0, 1)

# --- scband reference (transcript-rebuilt; emitter-appended) ---
"""Pipeline reference for scband-pos-encoding-85469849191048 (READ-ONLY COPY).

The authoritative reference and input builder live on the scoring server;
editing this copy changes nothing except your own understanding.
"""

import jax, jax.numpy as jnp
import numpy as np

MAX_TTA = 100000
DIMS = 128

def build_tta_encoding(max_tta, dims, basis=10000.0):
    # Faithful to torch: even slots = sin(tta / basis**(i/dims)), odd slots = cos(same)
    i = jnp.arange(0, dims, 2, dtype=jnp.float32)  # [dims/2]
    tta = jnp.arange(max_tta, dtype=jnp.float32)[:, None]  # [max_tta, 1]
    angles = tta / jnp.power(basis, i / dims)  # [max_tta, dims/2]
    table = jnp.zeros((max_tta, dims), dtype=jnp.float32)
    even_idx = jnp.arange(0, dims, 2)
    table = table.at[:, even_idx].set(jnp.sin(angles))
    table = table.at[:, even_idx + 1].set(jnp.cos(angles))
    return table

def setup_inputs(seed: int = 0) -> dict:
    key = jax.random.key(seed)
    k1, = jax.random.split(key, 1)
    id_ = jax.random.randint(k1, (16384, 20), 0, MAX_TTA, dtype=jnp.int64 if jax.config.jax_enable_x64 else jnp.int32)
    ttaEncoding = build_tta_encoding(MAX_TTA, DIMS)
    return {"id": id_, "ttaEncoding": ttaEncoding}

def reference(id, ttaEncoding):
    # forward: self.ttaEncoding[id] -> gather rows
    return jnp.take(ttaEncoding, id, axis=0)

if __name__ == "__main__":
    import jax
    _d = setup_inputs()
    print(jax.jit(kernel)(*tuple(_d.values())))

</pallas_src>

<mosaic_0001>
#map = affine_map<(d0, d1) -> (0, 0)>
#map1 = affine_map<(d0, d1) -> (0, 0, 0)>
module attributes {stable_mosaic.version = 14 : i64} {
  func.func @_gather(%arg0: i32, %arg1: i32, %arg2: memref<100000x128xf32, #tpu.memory_space<hbm>>, %arg3: memref<2560x128xi32, #tpu.memory_space<hbm>>, %arg4: memref<20x16384x128xf32, #tpu.memory_space<hbm>>, %arg5: memref<80x128xi32, #tpu.memory_space<vmem>>, %arg6: memref<128x128xf32, #tpu.memory_space<vmem>>, %arg7: memref<128x128xf32, #tpu.memory_space<vmem>>, %arg8: memref<128x128xf32, #tpu.memory_space<vmem>>, %arg9: memref<128x128xf32, #tpu.memory_space<vmem>>, %arg10: memref<!tpu.dma_semaphore, #tpu.memory_space<semaphore_mem>>, %arg11: memref<!tpu.dma_semaphore, #tpu.memory_space<semaphore_mem>>, %arg12: memref<!tpu.dma_semaphore, #tpu.memory_space<semaphore_mem>>, %arg13: memref<!tpu.dma_semaphore, #tpu.memory_space<semaphore_mem>>, %arg14: memref<!tpu.dma_semaphore, #tpu.memory_space<semaphore_mem>>, %arg15: memref<!tpu.dma_semaphore, #tpu.memory_space<semaphore_mem>>, %arg16: memref<!tpu.dma_semaphore, #tpu.memory_space<semaphore_mem>>, %arg17: memref<!tpu.dma_semaphore, #tpu.memory_space<semaphore_mem>>) attributes {dimension_semantics = [#tpu.dimension_semantics<core_parallel>, #tpu.dimension_semantics<subcore_parallel>], iteration_bounds = array<i64: 2, 16>, scalar_prefetch = 0 : i64, scratch_operands = 13 : i64, tpu.core_type = #tpu.core_type<sc_vector_subcore>, window_params = [{transform_indices = #map}, {transform_indices = #map}, {transform_indices = #map1}]} {
    %mul3A = arith.constant 2 : i32
    %mul3A_0 = arith.muli %arg1, %mul3A : i32
    %add3A = arith.addi %mul3A_0, %arg0 : i32
    %mul3A_1 = arith.constant 10240 : i32
    %mul3A_2 = arith.muli %add3A, %mul3A_1 : i32
    %multiple_of3A = tpu.assume_multiple %mul3A_2, 10240 : i32
    %mul3A_3 = arith.constant 80 : i32
    %mul3A_4 = arith.muli %add3A, %mul3A_3 : i32
    %multiple_of3A_5 = tpu.assume_multiple %mul3A_4, 80 : i32
    "tpu.region"() ({
      %run_scoped3A = tpu.sem_alloc : memref<!tpu.dma_semaphore, #tpu.memory_space<semaphore_mem>>
      %dma_start3A_369 = arith.constant 0 : i32
      %dma_start3A_370 = tpu.memref_slice %arg3[%multiple_of3A_5, %dma_start3A_369] : memref<2560x128xi32, #tpu.memory_space<hbm>> -> memref<80x128xi32, #tpu.memory_space<hbm>>
      %dma_start3A_371 = arith.constant 0 : i32
      %dma_start3A_372 = tpu.memref_slice %arg3[%multiple_of3A_5, %dma_start3A_371] : memref<2560x128xi32, #tpu.memory_space<hbm>> -> memref<80x128xi32, #tpu.memory_space<hbm>>
      tpu.enqueue_dma source(%dma_start3A_372 : memref<80x128xi32, #tpu.memory_space<hbm>>) target(%arg5 : memref<80x128xi32, #tpu.memory_space<vmem>>) target_semaphore(%run_scoped3A : memref<!tpu.dma_semaphore, #tpu.memory_space<semaphore_mem>>)
      %dma_wait3A_373 = arith.constant 0 : i32
      %dma_wait3A_374 = tpu.memref_slice %arg3[%multiple_of3A_5, %dma_wait3A_373] : memref<2560x128xi32, #tpu.memory_space<hbm>> -> memref<80x128xi32, #tpu.memory_space<hbm>>
      %dma_wait3A_375 = arith.constant 0 : i32
      %dma_wait3A_376 = tpu.memref_slice %arg3[%multiple_of3A_5, %dma_wait3A_375] : memref<2560x128xi32, #tpu.memory_space<hbm>> -> memref<80x128xi32, #tpu.memory_space<hbm>>
      tpu.wait_dma2 semaphore(%run_scoped3A : memref<!tpu.dma_semaphore, #tpu.memory_space<semaphore_mem>>) src(%dma_wait3A_376 : memref<80x128xi32, #tpu.memory_space<hbm>>) dst(%arg5 : memref<80x128xi32, #tpu.memory_space<vmem>>)
      tpu.yield
    }) : () -> ()
    %dma_start3A = arith.constant 0 : i32
    %dma_start3A_6 = arith.constant 0 : i32
    %dma_start3A_7 = arith.constant 0 : i32
    %dma_start3A_8 = tpu.memref_slice %arg6[%dma_start3A_6, %dma_start3A_7] : memref<128x128xf32, #tpu.memory_space<vmem>> -> memref<128x128xf32, #tpu.memory_space<vmem>>
    %dma_start3A_9 = arith.constant 0 : i32
    %dma_start3A_10 = tpu.memref_slice %arg5[%dma_start3A, %dma_start3A_9] : memref<80x128xi32, #tpu.memory_space<vmem>> -> memref<1x128xi32, #tpu.memory_space<vmem>>
    %dma_start3A_11 = tpu.memref_squeeze %dma_start3A_10 : memref<1x128xi32, #tpu.memory_space<vmem>> -> memref<128xi32, #tpu.memory_space<vmem>>
    %dma_start3A_12 = arith.constant 0 : i32
    %dma_start3A_13 = arith.constant 0 : i32
    %dma_start3A_14 = tpu.memref_slice %arg2[%dma_start3A_12, %dma_start3A_13] : memref<100000x128xf32, #tpu.memory_space<hbm>> -> memref<100000x128xf32, #tpu.memory_space<hbm>>
    tpu.enqueue_indirect_dma source(%dma_start3A_14 : memref<100000x128xf32, #tpu.memory_space<hbm>>) target(%dma_start3A_8 : memref<128x128xf32, #tpu.memory_space<vmem>>) offsets(%dma_start3A_11 : memref<128xi32, #tpu.memory_space<vmem>>) semaphore(%arg10 : memref<!tpu.dma_semaphore, #tpu.memory_space<semaphore_mem>>)
    %dma_start3A_15 = arith.constant 1 : i32
    %dma_start3A_16 = arith.constant 0 : i32
    %dma_start3A_17 = arith.constant 0 : i32
    %dma_start3A_18 = tpu.memref_slice %arg7[%dma_start3A_16, %dma_start3A_17] : memref<128x128xf32, #tpu.memory_space<vmem>> -> memref<128x128xf32, #tpu.memory_space<vmem>>
    %dma_start3A_19 = arith.constant 0 : i32
    %dma_start3A_20 = tpu.memref_slice %arg5[%dma_start3A_15, %dma_start3A_19] : memref<80x128xi32, #tpu.memory_space<vmem>> -> memref<1x128xi32, #tpu.memory_space<vmem>>
    %dma_start3A_21 = tpu.memref_squeeze %dma_start3A_20 : memref<1x128xi32, #tpu.memory_space<vmem>> -> memref<128xi32, #tpu.memory_space<vmem>>
    %dma_start3A_22 = arith.constant 0 : i32
    %dma_start3A_23 = arith.constant 0 : i32
    %dma_start3A_24 = tpu.memref_slice %arg2[%dma_start3A_22, %dma_start3A_23] : memref<100000x128xf32, #tpu.memory_space<hbm>> -> memref<100000x128xf32, #tpu.memory_space<hbm>>
    tpu.enqueue_indirect_dma source(%dma_start3A_24 : memref<100000x128xf32, #tpu.memory_space<hbm>>) target(%dma_start3A_18 : memref<128x128xf32, #tpu.memory_space<vmem>>) offsets(%dma_start3A_21 : memref<128xi32, #tpu.memory_space<vmem>>) semaphore(%arg11 : memref<!tpu.dma_semaphore, #tpu.memory_space<semaphore_mem>>)
    %dma_start3A_25 = arith.constant 2 : i32
    %dma_start3A_26 = arith.constant 0 : i32
    %dma_start3A_27 = arith.constant 0 : i32
    %dma_start3A_28 = tpu.memref_slice %arg8[%dma_start3A_26, %dma_start3A_27] : memref<128x128xf32, #tpu.memory_space<vmem>> -> memref<128x128xf32, #tpu.memory_space<vmem>>
    %dma_start3A_29 = arith.constant 0 : i32
    %dma_start3A_30 = tpu.memref_slice %arg5[%dma_start3A_25, %dma_start3A_29] : memref<80x128xi32, #tpu.memory_space<vmem>> -> memref<1x128xi32, #tpu.memory_space<vmem>>
    %dma_start3A_31 = tpu.memref_squeeze %dma_start3A_30 : memref<1x128xi32, #tpu.memory_space<vmem>> -> memref<128xi32, #tpu.memory_space<vmem>>
    %dma_start3A_32 = arith.constant 0 : i32
    %dma_start3A_33 = arith.constant 0 : i32
    %dma_start3A_34 = tpu.memref_slice %arg2[%dma_start3A_32, %dma_start3A_33] : memref<100000x128xf32, #tpu.memory_space<hbm>> -> memref<100000x128xf32, #tpu.memory_space<hbm>>
    tpu.enqueue_indirect_dma source(%dma_start3A_34 : memref<100000x128xf32, #tpu.memory_space<hbm>>) target(%dma_start3A_28 : memref<128x128xf32, #tpu.memory_space<vmem>>) offsets(%dma_start3A_31 : memref<128xi32, #tpu.memory_space<vmem>>) semaphore(%arg12 : memref<!tpu.dma_semaphore, #tpu.memory_space<semaphore_mem>>)
    %dma_start3A_35 = arith.constant 3 : i32
    %dma_start3A_36 = arith.constant 0 : i32
    %dma_start3A_37 = arith.constant 0 : i32
    %dma_start3A_38 = tpu.memref_slice %arg9[%dma_start3A_36, %dma_start3A_37] : memref<128x128xf32, #tpu.memory_space<vmem>> -> memref<128x128xf32, #tpu.memory_space<vmem>>
    %dma_start3A_39 = arith.constant 0 : i32
    %dma_start3A_40 = tpu.memref_slice %arg5[%dma_start3A_35, %dma_start3A_39] : memref<80x128xi32, #tpu.memory_space<vmem>> -> memref<1x128xi32, #tpu.memory_space<vmem>>
    %dma_start3A_41 = tpu.memref_squeeze %dma_start3A_40 : memref<1x128xi32, #tpu.memory_space<vmem>> -> memref<128xi32, #tpu.memory_space<vmem>>
    %dma_start3A_42 = arith.constant 0 : i32
    %dma_start3A_43 = arith.constant 0 : i32
    %dma_start3A_44 = tpu.memref_slice %arg2[%dma_start3A_42, %dma_start3A_43] : memref<100000x128xf32, #tpu.memory_space<hbm>> -> memref<100000x128xf32, #tpu.memory_space<hbm>>
    tpu.enqueue_indirect_dma source(%dma_start3A_44 : memref<100000x128xf32, #tpu.memory_space<hbm>>) target(%dma_start3A_38 : memref<128x128xf32, #tpu.memory_space<vmem>>) offsets(%dma_start3A_41 : memref<128xi32, #tpu.memory_space<vmem>>) semaphore(%arg13 : memref<!tpu.dma_semaphore, #tpu.memory_space<semaphore_mem>>)
    %scan3A = arith.constant 0 : i32
    %scan3A_45 = arith.constant 0 : i32
    %scan3A_46 = arith.constant 19 : i32
    %scan3A_47 = arith.addi %scan3A_45, %scan3A_46 : i32
    %scan3A_48 = arith.constant 1 : i32
    scf.for %scan3A_369 = %scan3A_45 to %scan3A_47 step %scan3A_48  : i32 {
      %mul3A_370 = arith.constant 4 : i32
      %mul3A_371 = arith.muli %scan3A_369, %mul3A_370 : i32
      %add3A_372 = arith.constant 0 : i32
      %add3A_373 = arith.addi %mul3A_371, %add3A_372 : i32
      %mul3A_374 = arith.constant 1 : i32
      %mul3A_375 = arith.muli %add3A_373, %mul3A_374 : i32
      %add3A_376 = arith.constant 0 : i32
      %add3A_377 = arith.addi %mul3A_375, %add3A_376 : i32
      %dma_wait3A_378 = arith.constant 0 : i32
      %dma_wait3A_379 = arith.constant 0 : i32
      %dma_wait3A_380 = tpu.memref_slice %arg6[%dma_wait3A_378, %dma_wait3A_379] : memref<128x128xf32, #tpu.memory_space<vmem>> -> memref<128x128xf32, #tpu.memory_space<vmem>>
      %dma_wait3A_381 = arith.constant 0 : i32
      %dma_wait3A_382 = tpu.memref_slice %arg5[%add3A_377, %dma_wait3A_381] : memref<80x128xi32, #tpu.memory_space<vmem>> -> memref<1x128xi32, #tpu.memory_space<vmem>>
      %dma_wait3A_383 = tpu.memref_squeeze %dma_wait3A_382 : memref<1x128xi32, #tpu.memory_space<vmem>> -> memref<128xi32, #tpu.memory_space<vmem>>
      %dma_wait3A_384 = arith.constant 0 : i32
      %dma_wait3A_385 = arith.constant 0 : i32
      %dma_wait3A_386 = tpu.memref_slice %arg2[%dma_wait3A_384, %dma_wait3A_385] : memref<100000x128xf32, #tpu.memory_space<hbm>> -> memref<100000x128xf32, #tpu.memory_space<hbm>>
      tpu.wait_indirect_dma semaphore(%arg10 : memref<!tpu.dma_semaphore, #tpu.memory_space<semaphore_mem>>) src(%dma_wait3A_386 : memref<100000x128xf32, #tpu.memory_space<hbm>>) dst(%dma_wait3A_380 : memref<128x128xf32, #tpu.memory_space<vmem>>)
      %mul3A_387 = arith.constant 128 : i32
      %mul3A_388 = arith.muli %add3A_373, %mul3A_387 : i32
      %add3A_389 = arith.addi %multiple_of3A, %mul3A_388 : i32
      %jit3A_390 = arith.constant 16384 : i32
      %div3A_391 = arith.divsi %add3A_389, %jit3A_390 : i32
      %sign3A_392 = arith.constant 0 : i32
      %sign3A_393 = arith.cmpi sgt, %add3A_389, %sign3A_392 : i32
      %sign3A_394 = arith.extui %sign3A_393 : i1 to i32
      %sign3A_395 = arith.constant 0 : i32
      %sign3A_396 = arith.cmpi slt, %add3A_389, %sign3A_395 : i32
      %sign3A_397 = arith.extui %sign3A_396 : i1 to i32
      %sign3A_398 = arith.subi %sign3A_394, %sign3A_397 : i32
      %sign3A_399 = arith.constant 0 : i32
      %sign3A_400 = arith.cmpi sgt, %jit3A_390, %sign3A_399 : i32
      %sign3A_401 = arith.extui %sign3A_400 : i1 to i32
      %sign3A_402 = arith.constant 0 : i32
      %sign3A_403 = arith.cmpi slt, %jit3A_390, %sign3A_402 : i32
      %sign3A_404 = arith.extui %sign3A_403 : i1 to i32
      %sign3A_405 = arith.subi %sign3A_401, %sign3A_404 : i32
      %ne3A_406 = arith.cmpi ne, %sign3A_398, %sign3A_405 : i32
      %rem3A_407 = arith.remsi %add3A_389, %jit3A_390 : i32
      %ne3A_408 = arith.constant 0 : i32
      %ne3A_409 = arith.cmpi ne, %rem3A_407, %ne3A_408 : i32
      %and3A_410 = arith.andi %ne3A_406, %ne3A_409 : i1
      %sub3A_411 = arith.constant 1 : i32
      %sub3A_412 = arith.subi %div3A_391, %sub3A_411 : i32
      %select_n3A_413 = arith.select %and3A_410, %sub3A_412, %div3A_391 : i32
      %mul3A_414 = arith.constant 16384 : i32
      %mul3A_415 = arith.muli %select_n3A_413, %mul3A_414 : i32
      %sub3A_416 = arith.subi %add3A_389, %mul3A_415 : i32
      %multiple_of3A_417 = tpu.assume_multiple %sub3A_416, 128 : i32
      %dma_start3A_418 = arith.constant 0 : i32
      %dma_start3A_419 = tpu.memref_slice %arg4[%select_n3A_413, %multiple_of3A_417, %dma_start3A_418] : memref<20x16384x128xf32, #tpu.memory_space<hbm>> -> memref<1x128x128xf32, #tpu.memory_space<hbm>>
      %dma_start3A_420 = tpu.memref_squeeze %dma_start3A_419 : memref<1x128x128xf32, #tpu.memory_space<hbm>> -> memref<128x128xf32, #tpu.memory_space<hbm>>
      %dma_start3A_421 = arith.constant 0 : i32
      %dma_start3A_422 = tpu.memref_slice %arg4[%select_n3A_413, %multiple_of3A_417, %dma_start3A_421] : memref<20x16384x128xf32, #tpu.memory_space<hbm>> -> memref<1x128x128xf32, #tpu.memory_space<hbm>>
      %dma_start3A_423 = tpu.memref_squeeze %dma_start3A_422 : memref<1x128x128xf32, #tpu.memory_space<hbm>> -> memref<128x128xf32, #tpu.memory_space<hbm>>
      tpu.enqueue_dma source(%arg6 : memref<128x128xf32, #tpu.memory_space<vmem>>) target(%dma_start3A_423 : memref<128x128xf32, #tpu.memory_space<hbm>>) target_semaphore(%arg14 : memref<!tpu.dma_semaphore, #tpu.memory_space<semaphore_mem>>)
      %mul3A_424 = arith.constant 128 : i32
      %mul3A_425 = arith.muli %add3A_373, %mul3A_424 : i32
      %add3A_426 = arith.addi %multiple_of3A, %mul3A_425 : i32
      %jit3A_427 = arith.constant 16384 : i32
      %div3A_428 = arith.divsi %add3A_426, %jit3A_427 : i32
      %sign3A_429 = arith.constant 0 : i32
      %sign3A_430 = arith.cmpi sgt, %add3A_426, %sign3A_429 : i32
      %sign3A_431 = arith.extui %sign3A_430 : i1 to i32
      %sign3A_432 = arith.constant 0 : i32
      %sign3A_433 = arith.cmpi slt, %add3A_426, %sign3A_432 : i32
      %sign3A_434 = arith.extui %sign3A_433 : i1 to i32
      %sign3A_435 = arith.subi %sign3A_431, %sign3A_434 : i32
      %sign3A_436 = arith.constant 0 : i32
      %sign3A_437 = arith.cmpi sgt, %jit3A_427, %sign3A_436 : i32
      %sign3A_438 = arith.extui %sign3A_437 : i1 to i32
      %sign3A_439 = arith.constant 0 : i32
      %sign3A_440 = arith.cmpi slt, %jit3A_427, %sign3A_439 : i32
      %sign3A_441 = arith.extui %sign3A_440 : i1 to i32
      %sign3A_442 = arith.subi %sign3A_438, %sign3A_441 : i32
      %ne3A_443 = arith.cmpi ne, %sign3A_435, %sign3A_442 : i32
      %rem3A_444 = arith.remsi %add3A_426, %jit3A_427 : i32
      %ne3A_445 = arith.constant 0 : i32
      %ne3A_446 = arith.cmpi ne, %rem3A_444, %ne3A_445 : i32
      %and3A_447 = arith.andi %ne3A_443, %ne3A_446 : i1
      %sub3A_448 = arith.constant 1 : i32
      %sub3A_449 = arith.subi %div3A_428, %sub3A_448 : i32
      %select_n3A_450 = arith.select %and3A_447, %sub3A_449, %div3A_428 : i32
      %mul3A_451 = arith.constant 16384 : i32
      %mul3A_452 = arith.muli %select_n3A_450, %mul3A_451 : i32
      %sub3A_453 = arith.subi %add3A_426, %mul3A_452 : i32
      %multiple_of3A_454 = tpu.assume_multiple %sub3A_453, 128 : i32
      %dma_wait3A_455 = arith.constant 0 : i32
      %dma_wait3A_456 = tpu.memref_slice %arg4[%select_n3A_450, %multiple_of3A_454, %dma_wait3A_455] : memref<20x16384x128xf32, #tpu.memory_space<hbm>> -> memref<1x128x128xf32, #tpu.memory_space<hbm>>
      %dma_wait3A_457 = tpu.memref_squeeze %dma_wait3A_456 : memref<1x128x128xf32, #tpu.memory_space<hbm>> -> memref<128x128xf32, #tpu.memory_space<hbm>>
      %dma_wait3A_458 = arith.constant 0 : i32
      %dma_wait3A_459 = tpu.memref_slice %arg4[%select_n3A_450, %multiple_of3A_454, %dma_wait3A_458] : memref<20x16384x128xf32, #tpu.memory_space<hbm>> -> memref<1x128x128xf32, #tpu.memory_space<hbm>>
      %dma_wait3A_460 = tpu.memref_squeeze %dma_wait3A_459 : memref<1x128x128xf32, #tpu.memory_space<hbm>> -> memref<128x128xf32, #tpu.memory_space<hbm>>
      tpu.wait_dma2 semaphore(%arg14 : memref<!tpu.dma_semaphore, #tpu.memory_space<semaphore_mem>>) src(%arg6 : memref<128x128xf32, #tpu.memory_space<vmem>>) dst(%dma_wait3A_460 : memref<128x128xf32, #tpu.memory_space<hbm>>)
      %add3A_461 = arith.constant 4 : i32
      %add3A_462 = arith.addi %add3A_373, %add3A_461 : i32
      %mul3A_463 = arith.constant 1 : i32
      %mul3A_464 = arith.muli %add3A_462, %mul3A_463 : i32
      %add3A_465 = arith.constant 0 : i32
      %add3A_466 = arith.addi %mul3A_464, %add3A_465 : i32
      %dma_start3A_467 = arith.constant 0 : i32
      %dma_start3A_468 = arith.constant 0 : i32
      %dma_start3A_469 = tpu.memref_slice %arg6[%dma_start3A_467, %dma_start3A_468] : memref<128x128xf32, #tpu.memory_space<vmem>> -> memref<128x128xf32, #tpu.memory_space<vmem>>
      %dma_start3A_470 = arith.constant 0 : i32
      %dma_start3A_471 = tpu.memref_slice %arg5[%add3A_466, %dma_start3A_470] : memref<80x128xi32, #tpu.memory_space<vmem>> -> memref<1x128xi32, #tpu.memory_space<vmem>>
      %dma_start3A_472 = tpu.memref_squeeze %dma_start3A_471 : memref<1x128xi32, #tpu.memory_space<vmem>> -> memref<128xi32, #tpu.memory_space<vmem>>
      %dma_start3A_473 = arith.constant 0 : i32
      %dma_start3A_474 = arith.constant 0 : i32
      %dma_start3A_475 = tpu.memref_slice %arg2[%dma_start3A_473, %dma_start3A_474] : memref<100000x128xf32, #tpu.memory_space<hbm>> -> memref<100000x128xf32, #tpu.memory_space<hbm>>
      tpu.enqueue_indirect_dma source(%dma_start3A_475 : memref<100000x128xf32, #tpu.memory_space<hbm>>) target(%dma_start3A_469 : memref<128x128xf32, #tpu.memory_space<vmem>>) offsets(%dma_start3A_472 : memref<128xi32, #tpu.memory_space<vmem>>) semaphore(%arg10 : memref<!tpu.dma_semaphore, #tpu.memory_space<semaphore_mem>>)
      %mul3A_476 = arith.constant 4 : i32
      %mul3A_477 = arith.muli %scan3A_369, %mul3A_476 : i32
      %add3A_478 = arith.constant 1 : i32
      %add3A_479 = arith.addi %mul3A_477, %add3A_478 : i32
      %mul3A_480 = arith.constant 1 : i32
      %mul3A_481 = arith.muli %add3A_479, %mul3A_480 : i32
      %add3A_482 = arith.constant 0 : i32
      %add3A_483 = arith.addi %mul3A_481, %add3A_482 : i32
      %dma_wait3A_484 = arith.constant 0 : i32
      %dma_wait3A_485 = arith.constant 0 : i32
      %dma_wait3A_486 = tpu.memref_slice %arg7[%dma_wait3A_484, %dma_wait3A_485] : memref<128x128xf32, #tpu.memory_space<vmem>> -> memref<128x128xf32, #tpu.memory_space<vmem>>
      %dma_wait3A_487 = arith.constant 0 : i32
      %dma_wait3A_488 = tpu.memref_slice %arg5[%add3A_483, %dma_wait3A_487] : memref<80x128xi32, #tpu.memory_space<vmem>> -> memref<1x128xi32, #tpu.memory_space<vmem>>
      %dma_wait3A_489 = tpu.memref_squeeze %dma_wait3A_488 : memref<1x128xi32, #tpu.memory_space<vmem>> -> memref<128xi32, #tpu.memory_space<vmem>>
      %dma_wait3A_490 = arith.constant 0 : i32
      %dma_wait3A_491 = arith.constant 0 : i32
      %dma_wait3A_492 = tpu.memref_slice %arg2[%dma_wait3A_490, %dma_wait3A_491] : memref<100000x128xf32, #tpu.memory_space<hbm>> -> memref<100000x128xf32, #tpu.memory_space<hbm>>
      tpu.wait_indirect_dma semaphore(%arg11 : memref<!tpu.dma_semaphore, #tpu.memory_space<semaphore_mem>>) src(%dma_wait3A_492 : memref<100000x128xf32, #tpu.memory_space<hbm>>) dst(%dma_wait3A_486 : memref<128x128xf32, #tpu.memory_space<vmem>>)
      %mul3A_493 = arith.constant 128 : i32
      %mul3A_494 = arith.muli %add3A_479, %mul3A_493 : i32
      %add3A_495 = arith.addi %multiple_of3A, %mul3A_494 : i32
      %jit3A_496 = arith.constant 16384 : i32
      %div3A_497 = arith.divsi %add3A_495, %jit3A_496 : i32
      %sign3A_498 = arith.constant 0 : i32
      %sign3A_499 = arith.cmpi sgt, %add3A_495, %sign3A_498 : i32
      %sign3A_500 = arith.extui %sign3A_499 : i1 to i32
      %sign3A_501 = arith.constant 0 : i32
      %sign3A_502 = arith.cmpi slt, %add3A_495, %sign3A_501 : i32
      %sign3A_503 = arith.extui %sign3A_502 : i1 to i32
      %sign3A_504 = arith.subi %sign3A_500, %sign3A_503 : i32
      %sign3A_505 = arith.constant 0 : i32
      %sign3A_506 = arith.cmpi sgt, %jit3A_496, %sign3A_505 : i32
      %sign3A_507 = arith.extui %sign3A_506 : i1 to i32
      %sign3A_508 = arith.constant 0 : i32
      %sign3A_509 = arith.cmpi slt, %jit3A_496, %sign3A_508 : i32
      %sign3A_510 = arith.extui %sign3A_509 : i1 to i32
      %sign3A_511 = arith.subi %sign3A_507, %sign3A_510 : i32
      %ne3A_512 = arith.cmpi ne, %sign3A_504, %sign3A_511 : i32
      %rem3A_513 = arith.remsi %add3A_495, %jit3A_496 : i32
      %ne3A_514 = arith.constant 0 : i32
      %ne3A_515 = arith.cmpi ne, %rem3A_513, %ne3A_514 : i32
      %and3A_516 = arith.andi %ne3A_512, %ne3A_515 : i1
      %sub3A_517 = arith.constant 1 : i32
      %sub3A_518 = arith.subi %div3A_497, %sub3A_517 : i32
      %select_n3A_519 = arith.select %and3A_516, %sub3A_518, %div3A_497 : i32
      %mul3A_520 = arith.constant 16384 : i32
      %mul3A_521 = arith.muli %select_n3A_519, %mul3A_520 : i32
      %sub3A_522 = arith.subi %add3A_495, %mul3A_521 : i32
      %multiple_of3A_523 = tpu.assume_multiple %sub3A_522, 128 : i32
      %dma_start3A_524 = arith.constant 0 : i32
      %dma_start3A_525 = tpu.memref_slice %arg4[%select_n3A_519, %multiple_of3A_523, %dma_start3A_524] : memref<20x16384x128xf32, #tpu.memory_space<hbm>> -> memref<1x128x128xf32, #tpu.memory_space<hbm>>
      %dma_start3A_526 = tpu.memref_squeeze %dma_start3A_525 : memref<1x128x128xf32, #tpu.memory_space<hbm>> -> memref<128x128xf32, #tpu.memory_space<hbm>>
      %dma_start3A_527 = arith.constant 0 : i32
      %dma_start3A_528 = tpu.memref_slice %arg4[%select_n3A_519, %multiple_of3A_523, %dma_start3A_527] : memref<20x16384x128xf32, #tpu.memory_space<hbm>> -> memref<1x128x128xf32, #tpu.memory_space<hbm>>
      %dma_start3A_529 = tpu.memref_squeeze %dma_start3A_528 : memref<1x128x128xf32, #tpu.memory_space<hbm>> -> memref<128x128xf32, #tpu.memory_space<hbm>>
      tpu.enqueue_dma source(%arg7 : memref<128x128xf32, #tpu.memory_space<vmem>>) target(%dma_start3A_529 : memref<128x128xf32, #tpu.memory_space<hbm>>) target_semaphore(%arg15 : memref<!tpu.dma_semaphore, #tpu.memory_space<semaphore_mem>>)
      %mul3A_530 = arith.constant 128 : i32
      %mul3A_531 = arith.muli %add3A_479, %mul3A_530 : i32
      %add3A_532 = arith.addi %multiple_of3A, %mul3A_531 : i32
      %jit3A_533 = arith.constant 16384 : i32
      %div3A_534 = arith.divsi %add3A_532, %jit3A_533 : i32
      %sign3A_535 = arith.constant 0 : i32
      %sign3A_536 = arith.cmpi sgt, %add3A_532, %sign3A_535 : i32
      %sign3A_537 = arith.extui %sign3A_536 : i1 to i32
      %sign3A_538 = arith.constant 0 : i32
      %sign3A_539 = arith.cmpi slt, %add3A_532, %sign3A_538 : i32
      %sign3A_540 = arith.extui %sign3A_539 : i1 to i32
      %sign3A_541 = arith.subi %sign3A_537, %sign3A_540 : i32
      %sign3A_542 = arith.constant 0 : i32
      %sign3A_543 = arith.cmpi sgt, %jit3A_533, %sign3A_542 : i32
      %sign3A_544 = arith.extui %sign3A_543 : i1 to i32
      %sign3A_545 = arith.constant 0 : i32
      %sign3A_546 = arith.cmpi slt, %jit3A_533, %sign3A_545 : i32
      %sign3A_547 = arith.extui %sign3A_546 : i1 to i32
      %sign3A_548 = arith.subi %sign3A_544, %sign3A_547 : i32
      %ne3A_549 = arith.cmpi ne, %sign3A_541, %sign3A_548 : i32
      %rem3A_550 = arith.remsi %add3A_532, %jit3A_533 : i32
      %ne3A_551 = arith.constant 0 : i32
      %ne3A_552 = arith.cmpi ne, %rem3A_550, %ne3A_551 : i32
      %and3A_553 = arith.andi %ne3A_549, %ne3A_552 : i1
      %sub3A_554 = arith.constant 1 : i32
      %sub3A_555 = arith.subi %div3A_534, %sub3A_554 : i32
      %select_n3A_556 = arith.select %and3A_553, %sub3A_555, %div3A_534 : i32
      %mul3A_557 = arith.constant 16384 : i32
      %mul3A_558 = arith.muli %select_n3A_556, %mul3A_557 : i32
      %sub3A_559 = arith.subi %add3A_532, %mul3A_558 : i32
      %multiple_of3A_560 = tpu.assume_multiple %sub3A_559, 128 : i32
      %dma_wait3A_561 = arith.constant 0 : i32
      %dma_wait3A_562 = tpu.memref_slice %arg4[%select_n3A_556, %multiple_of3A_560, %dma_wait3A_561] : memref<20x16384x128xf32, #tpu.memory_space<hbm>> -> memref<1x128x128xf32, #tpu.memory_space<hbm>>
      %dma_wait3A_563 = tpu.memref_squeeze %dma_wait3A_562 : memref<1x128x128xf32, #tpu.memory_space<hbm>> -> memref<128x128xf32, #tpu.memory_space<hbm>>
      %dma_wait3A_564 = arith.constant 0 : i32
      %dma_wait3A_565 = tpu.memref_slice %arg4[%select_n3A_556, %multiple_of3A_560, %dma_wait3A_564] : memref<20x16384x128xf32, #tpu.memory_space<hbm>> -> memref<1x128x128xf32, #tpu.memory_space<hbm>>
      %dma_wait3A_566 = tpu.memref_squeeze %dma_wait3A_565 : memref<1x128x128xf32, #tpu.memory_space<hbm>> -> memref<128x128xf32, #tpu.memory_space<hbm>>
      tpu.wait_dma2 semaphore(%arg15 : memref<!tpu.dma_semaphore, #tpu.memory_space<semaphore_mem>>) src(%arg7 : memref<128x128xf32, #tpu.memory_space<vmem>>) dst(%dma_wait3A_566 : memref<128x128xf32, #tpu.memory_space<hbm>>)
      %add3A_567 = arith.constant 4 : i32
      %add3A_568 = arith.addi %add3A_479, %add3A_567 : i32
      %mul3A_569 = arith.constant 1 : i32
      %mul3A_570 = arith.muli %add3A_568, %mul3A_569 : i32
      %add3A_571 = arith.constant 0 : i32
      %add3A_572 = arith.addi %mul3A_570, %add3A_571 : i32
      %dma_start3A_573 = arith.constant 0 : i32
      %dma_start3A_574 = arith.constant 0 : i32
      %dma_start3A_575 = tpu.memref_slice %arg7[%dma_start3A_573, %dma_start3A_574] : memref<128x128xf32, #tpu.memory_space<vmem>> -> memref<128x128xf32, #tpu.memory_space<vmem>>
      %dma_start3A_576 = arith.constant 0 : i32
      %dma_start3A_577 = tpu.memref_slice %arg5[%add3A_572, %dma_start3A_576] : memref<80x128xi32, #tpu.memory_space<vmem>> -> memref<1x128xi32, #tpu.memory_space<vmem>>
      %dma_start3A_578 = tpu.memref_squeeze %dma_start3A_577 : memref<1x128xi32, #tpu.memory_space<vmem>> -> memref<128xi32, #tpu.memory_space<vmem>>
      %dma_start3A_579 = arith.constant 0 : i32
      %dma_start3A_580 = arith.constant 0 : i32
      %dma_start3A_581 = tpu.memref_slice %arg2[%dma_start3A_579, %dma_start3A_580] : memref<100000x128xf32, #tpu.memory_space<hbm>> -> memref<100000x128xf32, #tpu.memory_space<hbm>>
      tpu.enqueue_indirect_dma source(%dma_start3A_581 : memref<100000x128xf32, #tpu.memory_space<hbm>>) target(%dma_start3A_575 : memref<128x128xf32, #tpu.memory_space<vmem>>) offsets(%dma_start3A_578 : memref<128xi32, #tpu.memory_space<vmem>>) semaphore(%arg11 : memref<!tpu.dma_semaphore, #tpu.memory_space<semaphore_mem>>)
      %mul3A_582 = arith.constant 4 : i32
      %mul3A_583 = arith.muli %scan3A_369, %mul3A_582 : i32
      %add3A_584 = arith.constant 2 : i32
      %add3A_585 = arith.addi %mul3A_583, %add3A_584 : i32
      %mul3A_586 = arith.constant 1 : i32
      %mul3A_587 = arith.muli %add3A_585, %mul3A_586 : i32
      %add3A_588 = arith.constant 0 : i32
      %add3A_589 = arith.addi %mul3A_587, %add3A_588 : i32
      %dma_wait3A_590 = arith.constant 0 : i32
      %dma_wait3A_591 = arith.constant 0 : i32
      %dma_wait3A_592 = tpu.memref_slice %arg8[%dma_wait3A_590, %dma_wait3A_591] : memref<128x128xf32, #tpu.memory_space<vmem>> -> memref<128x128xf32, #tpu.memory_space<vmem>>
      %dma_wait3A_593 = arith.constant 0 : i32
      %dma_wait3A_594 = tpu.memref_slice %arg5[%add3A_589, %dma_wait3A_593] : memref<80x128xi32, #tpu.memory_space<vmem>> -> memref<1x128xi32, #tpu.memory_space<vmem>>
      %dma_wait3A_595 = tpu.memref_squeeze %dma_wait3A_594 : memref<1x128xi32, #tpu.memory_space<vmem>> -> memref<128xi32, #tpu.memory_space<vmem>>
      %dma_wait3A_596 = arith.constant 0 : i32
      %dma_wait3A_597 = arith.constant 0 : i32
      %dma_wait3A_598 = tpu.memref_slice %arg2[%dma_wait3A_596, %dma_wait3A_597] : memref<100000x128xf32, #tpu.memory_space<hbm>> -> memref<100000x128xf32, #tpu.memory_space<hbm>>
      tpu.wait_indirect_dma semaphore(%arg12 : memref<!tpu.dma_semaphore, #tpu.memory_space<semaphore_mem>>) src(%dma_wait3A_598 : memref<100000x128xf32, #tpu.memory_space<hbm>>) dst(%dma_wait3A_592 : memref<128x128xf32, #tpu.memory_space<vmem>>)
      %mul3A_599 = arith.constant 128 : i32
      %mul3A_600 = arith.muli %add3A_585, %mul3A_599 : i32
      %add3A_601 = arith.addi %multiple_of3A, %mul3A_600 : i32
      %jit3A_602 = arith.constant 16384 : i32
      %div3A_603 = arith.divsi %add3A_601, %jit3A_602 : i32
      %sign3A_604 = arith.constant 0 : i32
      %sign3A_605 = arith.cmpi sgt, %add3A_601, %sign3A_604 : i32
      %sign3A_606 = arith.extui %sign3A_605 : i1 to i32
      %sign3A_607 = arith.constant 0 : i32
      %sign3A_608 = arith.cmpi slt, %add3A_601, %sign3A_607 : i32
      %sign3A_609 = arith.extui %sign3A_608 : i1 to i32
      %sign3A_610 = arith.subi %sign3A_606, %sign3A_609 : i32
      %sign3A_611 = arith.constant 0 : i32
      %sign3A_612 = arith.cmpi sgt, %jit3A_602, %sign3A_611 : i32
      %sign3A_613 = arith.extui %sign3A_612 : i1 to i32
      %sign3A_614 = arith.constant 0 : i32
      %sign3A_615 = arith.cmpi slt, %jit3A_602, %sign3A_614 : i32
      %sign3A_616 = arith.extui %sign3A_615 : i1 to i32
      %sign3A_617 = arith.subi %sign3A_613, %sign3A_616 : i32
      %ne3A_618 = arith.cmpi ne, %sign3A_610, %sign3A_617 : i32
      %rem3A_619 = arith.remsi %add3A_601, %jit3A_602 : i32
      %ne3A_620 = arith.constant 0 : i32
      %ne3A_621 = arith.cmpi ne, %rem3A_619, %ne3A_620 : i32
      %and3A_622 = arith.andi %ne3A_618, %ne3A_621 : i1
      %sub3A_623 = arith.constant 1 : i32
      %sub3A_624 = arith.subi %div3A_603, %sub3A_623 : i32
      %select_n3A_625 = arith.select %and3A_622, %sub3A_624, %div3A_603 : i32
      %mul3A_626 = arith.constant 16384 : i32
      %mul3A_627 = arith.muli %select_n3A_625, %mul3A_626 : i32
      %sub3A_628 = arith.subi %add3A_601, %mul3A_627 : i32
      %multiple_of3A_629 = tpu.assume_multiple %sub3A_628, 128 : i32
      %dma_start3A_630 = arith.constant 0 : i32
      %dma_start3A_631 = tpu.memref_slice %arg4[%select_n3A_625, %multiple_of3A_629, %dma_start3A_630] : memref<20x16384x128xf32, #tpu.memory_space<hbm>> -> memref<1x128x128xf32, #tpu.memory_space<hbm>>
      %dma_start3A_632 = tpu.memref_squeeze %dma_start3A_631 : memref<1x128x128xf32, #tpu.memory_space<hbm>> -> memref<128x128xf32, #tpu.memory_space<hbm>>
      %dma_start3A_633 = arith.constant 0 : i32
      %dma_start3A_634 = tpu.memref_slice %arg4[%select_n3A_625, %multiple_of3A_629, %dma_start3A_633] : memref<20x16384x128xf32, #tpu.memory_space<hbm>> -> memref<1x128x128xf32, #tpu.memory_space<hbm>>
      %dma_start3A_635 = tpu.memref_squeeze %dma_start3A_634 : memref<1x128x128xf32, #tpu.memory_space<hbm>> -> memref<128x128xf32, #tpu.memory_space<hbm>>
      tpu.enqueue_dma source(%arg8 : memref<128x128xf32, #tpu.memory_space<vmem>>) target(%dma_start3A_635 : memref<128x128xf32, #tpu.memory_space<hbm>>) target_semaphore(%arg16 : memref<!tpu.dma_semaphore, #tpu.memory_space<semaphore_mem>>)
      %mul3A_636 = arith.constant 128 : i32
      %mul3A_637 = arith.muli %add3A_585, %mul3A_636 : i32
      %add3A_638 = arith.addi %multiple_of3A, %mul3A_637 : i32
      %jit3A_639 = arith.constant 16384 : i32
      %div3A_640 = arith.divsi %add3A_638, %jit3A_639 : i32
      %sign3A_641 = arith.constant 0 : i32
      %sign3A_642 = arith.cmpi sgt, %add3A_638, %sign3A_641 : i32
      %sign3A_643 = arith.extui %sign3A_642 : i1 to i32
      %sign3A_644 = arith.constant 0 : i32
      %sign3A_645 = arith.cmpi slt, %add3A_638, %sign3A_644 : i32
      %sign3A_646 = arith.extui %sign3A_645 : i1 to i32
      %sign3A_647 = arith.subi %sign3A_643, %sign3A_646 : i32
      %sign3A_648 = arith.constant 0 : i32
      %sign3A_649 = arith.cmpi sgt, %jit3A_639, %sign3A_648 : i32
      %sign3A_650 = arith.extui %sign3A_649 : i1 to i32
      %sign3A_651 = arith.constant 0 : i32
      %sign3A_652 = arith.cmpi slt, %jit3A_639, %sign3A_651 : i32
      %sign3A_653 = arith.extui %sign3A_652 : i1 to i32
      %sign3A_654 = arith.subi %sign3A_650, %sign3A_653 : i32
      %ne3A_655 = arith.cmpi ne, %sign3A_647, %sign3A_654 : i32
      %rem3A_656 = arith.remsi %add3A_638, %jit3A_639 : i32
      %ne3A_657 = arith.constant 0 : i32
      %ne3A_658 = arith.cmpi ne, %rem3A_656, %ne3A_657 : i32
      %and3A_659 = arith.andi %ne3A_655, %ne3A_658 : i1
      %sub3A_660 = arith.constant 1 : i32
      %sub3A_661 = arith.subi %div3A_640, %sub3A_660 : i32
      %select_n3A_662 = arith.select %and3A_659, %sub3A_661, %div3A_640 : i32
      %mul3A_663 = arith.constant 16384 : i32
      %mul3A_664 = arith.muli %select_n3A_662, %mul3A_663 : i32
      %sub3A_665 = arith.subi %add3A_638, %mul3A_664 : i32
      %multiple_of3A_666 = tpu.assume_multiple %sub3A_665, 128 : i32
      %dma_wait3A_667 = arith.constant 0 : i32
      %dma_wait3A_668 = tpu.memref_slice %arg4[%select_n3A_662, %multiple_of3A_666, %dma_wait3A_667] : memref<20x16384x128xf32, #tpu.memory_space<hbm>> -> memref<1x128x128xf32, #tpu.memory_space<hbm>>
      %dma_wait3A_669 = tpu.memref_squeeze %dma_wait3A_668 : memref<1x128x128xf32, #tpu.memory_space<hbm>> -> memref<128x128xf32, #tpu.memory_space<hbm>>
      %dma_wait3A_670 = arith.constant 0 : i32
      %dma_wait3A_671 = tpu.memref_slice %arg4[%select_n3A_662, %multiple_of3A_666, %dma_wait3A_670] : memref<20x16384x128xf32, #tpu.memory_space<hbm>> -> memref<1x128x128xf32, #tpu.memory_space<hbm>>
      %dma_wait3A_672 = tpu.memref_squeeze %dma_wait3A_671 : memref<1x128x128xf32, #tpu.memory_space<hbm>> -> memref<128x128xf32, #tpu.memory_space<hbm>>
      tpu.wait_dma2 semaphore(%arg16 : memref<!tpu.dma_semaphore, #tpu.memory_space<semaphore_mem>>) src(%arg8 : memref<128x128xf32, #tpu.memory_space<vmem>>) dst(%dma_wait3A_672 : memref<128x128xf32, #tpu.memory_space<hbm>>)
      %add3A_673 = arith.constant 4 : i32
      %add3A_674 = arith.addi %add3A_585, %add3A_673 : i32
      %mul3A_675 = arith.constant 1 : i32
      %mul3A_676 = arith.muli %add3A_674, %mul3A_675 : i32
      %add3A_677 = arith.constant 0 : i32
      %add3A_678 = arith.addi %mul3A_676, %add3A_677 : i32
      %dma_start3A_679 = arith.constant 0 : i32
      %dma_start3A_680 = arith.constant 0 : i32
      %dma_start3A_681 = tpu.memref_slice %arg8[%dma_start3A_679, %dma_start3A_680] : memref<128x128xf32, #tpu.memory_space<vmem>> -> memref<128x128xf32, #tpu.memory_space<vmem>>
      %dma_start3A_682 = arith.constant 0 : i32
      %dma_start3A_683 = tpu.memref_slice %arg5[%add3A_678, %dma_start3A_682] : memref<80x128xi32, #tpu.memory_space<vmem>> -> memref<1x128xi32, #tpu.memory_space<vmem>>
      %dma_start3A_684 = tpu.memref_squeeze %dma_start3A_683 : memref<1x128xi32, #tpu.memory_space<vmem>> -> memref<128xi32, #tpu.memory_space<vmem>>
      %dma_start3A_685 = arith.constant 0 : i32
      %dma_start3A_686 = arith.constant 0 : i32
      %dma_start3A_687 = tpu.memref_slice %arg2[%dma_start3A_685, %dma_start3A_686] : memref<100000x128xf32, #tpu.memory_space<hbm>> -> memref<100000x128xf32, #tpu.memory_space<hbm>>
      tpu.enqueue_indirect_dma source(%dma_start3A_687 : memref<100000x128xf32, #tpu.memory_space<hbm>>) target(%dma_start3A_681 : memref<128x128xf32, #tpu.memory_space<vmem>>) offsets(%dma_start3A_684 : memref<128xi32, #tpu.memory_space<vmem>>) semaphore(%arg12 : memref<!tpu.dma_semaphore, #tpu.memory_space<semaphore_mem>>)
      %mul3A_688 = arith.constant 4 : i32
      %mul3A_689 = arith.muli %scan3A_369, %mul3A_688 : i32
      %add3A_690 = arith.constant 3 : i32
      %add3A_691 = arith.addi %mul3A_689, %add3A_690 : i32
      %mul3A_692 = arith.constant 1 : i32
      %mul3A_693 = arith.muli %add3A_691, %mul3A_692 : i32
      %add3A_694 = arith.constant 0 : i32
      %add3A_695 = arith.addi %mul3A_693, %add3A_694 : i32
      %dma_wait3A_696 = arith.constant 0 : i32
      %dma_wait3A_697 = arith.constant 0 : i32
      %dma_wait3A_698 = tpu.memref_slice %arg9[%dma_wait3A_696, %dma_wait3A_697] : memref<128x128xf32, #tpu.memory_space<vmem>> -> memref<128x128xf32, #tpu.memory_space<vmem>>
      %dma_wait3A_699 = arith.constant 0 : i32
      %dma_wait3A_700 = tpu.memref_slice %arg5[%add3A_695, %dma_wait3A_699] : memref<80x128xi32, #tpu.memory_space<vmem>> -> memref<1x128xi32, #tpu.memory_space<vmem>>
      %dma_wait3A_701 = tpu.memref_squeeze %dma_wait3A_700 : memref<1x128xi32, #tpu.memory_space<vmem>> -> memref<128xi32, #tpu.memory_space<vmem>>
      %dma_wait3A_702 = arith.constant 0 : i32
      %dma_wait3A_703 = arith.constant 0 : i32
      %dma_wait3A_704 = tpu.memref_slice %arg2[%dma_wait3A_702, %dma_wait3A_703] : memref<100000x128xf32, #tpu.memory_space<hbm>> -> memref<100000x128xf32, #tpu.memory_space<hbm>>
      tpu.wait_indirect_dma semaphore(%arg13 : memref<!tpu.dma_semaphore, #tpu.memory_space<semaphore_mem>>) src(%dma_wait3A_704 : memref<100000x128xf32, #tpu.memory_space<hbm>>) dst(%dma_wait3A_698 : memref<128x128xf32, #tpu.memory_space<vmem>>)
      %mul3A_705 = arith.constant 128 : i32
      %mul3A_706 = arith.muli %add3A_691, %mul3A_705 : i32
      %add3A_707 = arith.addi %multiple_of3A, %mul3A_706 : i32
      %jit3A_708 = arith.constant 16384 : i32
      %div3A_709 = arith.divsi %add3A_707, %jit3A_708 : i32
      %sign3A_710 = arith.constant 0 : i32
      %sign3A_711 = arith.cmpi sgt, %add3A_707, %sign3A_710 : i32
      %sign3A_712 = arith.extui %sign3A_711 : i1 to i32
      %sign3A_713 = arith.constant 0 : i32
      %sign3A_714 = arith.cmpi slt, %add3A_707, %sign3A_713 : i32
      %sign3A_715 = arith.extui %sign3A_714 : i1 to i32
      %sign3A_716 = arith.subi %sign3A_712, %sign3A_715 : i32
      %sign3A_717 = arith.constant 0 : i32
      %sign3A_718 = arith.cmpi sgt, %jit3A_708, %sign3A_717 : i32
      %sign3A_719 = arith.extui %sign3A_718 : i1 to i32
      %sign3A_720 = arith.constant 0 : i32
      %sign3A_721 = arith.cmpi slt, %jit3A_708, %sign3A_720 : i32
      %sign3A_722 = arith.extui %sign3A_721 : i1 to i32
      %sign3A_723 = arith.subi %sign3A_719, %sign3A_722 : i32
      %ne3A_724 = arith.cmpi ne, %sign3A_716, %sign3A_723 : i32
      %rem3A_725 = arith.remsi %add3A_707, %jit3A_708 : i32
      %ne3A_726 = arith.constant 0 : i32
      %ne3A_727 = arith.cmpi ne, %rem3A_725, %ne3A_726 : i32
      %and3A_728 = arith.andi %ne3A_724, %ne3A_727 : i1
      %sub3A_729 = arith.constant 1 : i32
      %sub3A_730 = arith.subi %div3A_709, %sub3A_729 : i32
      %select_n3A_731 = arith.select %and3A_728, %sub3A_730, %div3A_709 : i32
      %mul3A_732 = arith.constant 16384 : i32
      %mul3A_733 = arith.muli %select_n3A_731, %mul3A_732 : i32
      %sub3A_734 = arith.subi %add3A_707, %mul3A_733 : i32
      %multiple_of3A_735 = tpu.assume_multiple %sub3A_734, 128 : i32
      %dma_start3A_736 = arith.constant 0 : i32
      %dma_start3A_737 = tpu.memref_slice %arg4[%select_n3A_731, %multiple_of3A_735, %dma_start3A_736] : memref<20x16384x128xf32, #tpu.memory_space<hbm>> -> memref<1x128x128xf32, #tpu.memory_space<hbm>>
      %dma_start3A_738 = tpu.memref_squeeze %dma_start3A_737 : memref<1x128x128xf32, #tpu.memory_space<hbm>> -> memref<128x128xf32, #tpu.memory_space<hbm>>
      %dma_start3A_739 = arith.constant 0 : i32
      %dma_start3A_740 = tpu.memref_slice %arg4[%select_n3A_731, %multiple_of3A_735, %dma_start3A_739] : memref<20x16384x128xf32, #tpu.memory_space<hbm>> -> memref<1x128x128xf32, #tpu.memory_space<hbm>>
      %dma_start3A_741 = tpu.memref_squeeze %dma_start3A_740 : memref<1x128x128xf32, #tpu.memory_space<hbm>> -> memref<128x128xf32, #tpu.memory_space<hbm>>
      tpu.enqueue_dma source(%arg9 : memref<128x128xf32, #tpu.memory_space<vmem>>) target(%dma_start3A_741 : memref<128x128xf32, #tpu.memory_space<hbm>>) target_semaphore(%arg17 : memref<!tpu.dma_semaphore, #tpu.memory_space<semaphore_mem>>)
      %mul3A_742 = arith.constant 128 : i32
      %mul3A_743 = arith.muli %add3A_691, %mul3A_742 : i32
      %add3A_744 = arith.addi %multiple_of3A, %mul3A_743 : i32
      %jit3A_745 = arith.constant 16384 : i32
      %div3A_746 = arith.divsi %add3A_744, %jit3A_745 : i32
      %sign3A_747 = arith.constant 0 : i32
      %sign3A_748 = arith.cmpi sgt, %add3A_744, %sign3A_747 : i32
      %sign3A_749 = arith.extui %sign3A_748 : i1 to i32
      %sign3A_750 = arith.constant 0 : i32
      %sign3A_751 = arith.cmpi slt, %add3A_744, %sign3A_750 : i32
      %sign3A_752 = arith.extui %sign3A_751 : i1 to i32
      %sign3A_753 = arith.subi %sign3A_749, %sign3A_752 : i32
      %sign3A_754 = arith.constant 0 : i32
      %sign3A_755 = arith.cmpi sgt, %jit3A_745, %sign3A_754 : i32
      %sign3A_756 = arith.extui %sign3A_755 : i1 to i32
      %sign3A_757 = arith.constant 0 : i32
      %sign3A_758 = arith.cmpi slt, %jit3A_745, %sign3A_757 : i32
      %sign3A_759 = arith.extui %sign3A_758 : i1 to i32
      %sign3A_760 = arith.subi %sign3A_756, %sign3A_759 : i32
      %ne3A_761 = arith.cmpi ne, %sign3A_753, %sign3A_760 : i32
      %rem3A_762 = arith.remsi %add3A_744, %jit3A_745 : i32
      %ne3A_763 = arith.constant 0 : i32
      %ne3A_764 = arith.cmpi ne, %rem3A_762, %ne3A_763 : i32
      %and3A_765 = arith.andi %ne3A_761, %ne3A_764 : i1
      %sub3A_766 = arith.constant 1 : i32
      %sub3A_767 = arith.subi %div3A_746, %sub3A_766 : i32
      %select_n3A_768 = arith.select %and3A_765, %sub3A_767, %div3A_746 : i32
      %mul3A_769 = arith.constant 16384 : i32
      %mul3A_770 = arith.muli %select_n3A_768, %mul3A_769 : i32
      %sub3A_771 = arith.subi %add3A_744, %mul3A_770 : i32
      %multiple_of3A_772 = tpu.assume_multiple %sub3A_771, 128 : i32
      %dma_wait3A_773 = arith.constant 0 : i32
      %dma_wait3A_774 = tpu.memref_slice %arg4[%select_n3A_768, %multiple_of3A_772, %dma_wait3A_773] : memref<20x16384x128xf32, #tpu.memory_space<hbm>> -> memref<1x128x128xf32, #tpu.memory_space<hbm>>
      %dma_wait3A_775 = tpu.memref_squeeze %dma_wait3A_774 : memref<1x128x128xf32, #tpu.memory_space<hbm>> -> memref<128x128xf32, #tpu.memory_space<hbm>>
      %dma_wait3A_776 = arith.constant 0 : i32
      %dma_wait3A_777 = tpu.memref_slice %arg4[%select_n3A_768, %multiple_of3A_772, %dma_wait3A_776] : memref<20x16384x128xf32, #tpu.memory_space<hbm>> -> memref<1x128x128xf32, #tpu.memory_space<hbm>>
      %dma_wait3A_778 = tpu.memref_squeeze %dma_wait3A_777 : memref<1x128x128xf32, #tpu.memory_space<hbm>> -> memref<128x128xf32, #tpu.memory_space<hbm>>
      tpu.wait_dma2 semaphore(%arg17 : memref<!tpu.dma_semaphore, #tpu.memory_space<semaphore_mem>>) src(%arg9 : memref<128x128xf32, #tpu.memory_space<vmem>>) dst(%dma_wait3A_778 : memref<128x128xf32, #tpu.memory_space<hbm>>)
      %add3A_779 = arith.constant 4 : i32
      %add3A_780 = arith.addi %add3A_691, %add3A_779 : i32
      %mul3A_781 = arith.constant 1 : i32
      %mul3A_782 = arith.muli %add3A_780, %mul3A_781 : i32
      %add3A_783 = arith.constant 0 : i32
      %add3A_784 = arith.addi %mul3A_782, %add3A_783 : i32
      %dma_start3A_785 = arith.constant 0 : i32
      %dma_start3A_786 = arith.constant 0 : i32
      %dma_start3A_787 = tpu.memref_slice %arg9[%dma_start3A_785, %dma_start3A_786] : memref<128x128xf32, #tpu.memory_space<vmem>> -> memref<128x128xf32, #tpu.memory_space<vmem>>
      %dma_start3A_788 = arith.constant 0 : i32
      %dma_start3A_789 = tpu.memref_slice %arg5[%add3A_784, %dma_start3A_788] : memref<80x128xi32, #tpu.memory_space<vmem>> -> memref<1x128xi32, #tpu.memory_space<vmem>>
      %dma_start3A_790 = tpu.memref_squeeze %dma_start3A_789 : memref<1x128xi32, #tpu.memory_space<vmem>> -> memref<128xi32, #tpu.memory_space<vmem>>
      %dma_start3A_791 = arith.constant 0 : i32
      %dma_start3A_792 = arith.constant 0 : i32
      %dma_start3A_793 = tpu.memref_slice %arg2[%dma_start3A_791, %dma_start3A_792] : memref<100000x128xf32, #tpu.memory_space<hbm>> -> memref<100000x128xf32, #tpu.memory_space<hbm>>
      tpu.enqueue_indirect_dma source(%dma_start3A_793 : memref<100000x128xf32, #tpu.memory_space<hbm>>) target(%dma_start3A_787 : memref<128x128xf32, #tpu.memory_space<vmem>>) offsets(%dma_start3A_790 : memref<128xi32, #tpu.memory_space<vmem>>) semaphore(%arg13 : memref<!tpu.dma_semaphore, #tpu.memory_space<semaphore_mem>>)
    }
    %scan3A_49 = arith.constant 19 : i32
    %dma_wait3A = arith.constant 76 : i32
    %dma_wait3A_50 = arith.constant 0 : i32
    %dma_wait3A_51 = arith.constant 0 : i32
    %dma_wait3A_52 = tpu.memref_slice %arg6[%dma_wait3A_50, %dma_wait3A_51] : memref<128x128xf32, #tpu.memory_space<vmem>> -> memref<128x128xf32, #tpu.memory_space<vmem>>
    %dma_wait3A_53 = arith.constant 0 : i32
    %dma_wait3A_54 = tpu.memref_slice %arg5[%dma_wait3A, %dma_wait3A_53] : memref<80x128xi32, #tpu.memory_space<vmem>> -> memref<1x128xi32, #tpu.memory_space<vmem>>
    %dma_wait3A_55 = tpu.memref_squeeze %dma_wait3A_54 : memref<1x128xi32, #tpu.memory_space<vmem>> -> memref<128xi32, #tpu.memory_space<vmem>>
    %dma_wait3A_56 = arith.constant 0 : i32
    %dma_wait3A_57 = arith.constant 0 : i32
    %dma_wait3A_58 = tpu.memref_slice %arg2[%dma_wait3A_56, %dma_wait3A_57] : memref<100000x128xf32, #tpu.memory_space<hbm>> -> memref<100000x128xf32, #tpu.memory_space<hbm>>
    tpu.wait_indirect_dma semaphore(%arg10 : memref<!tpu.dma_semaphore, #tpu.memory_space<semaphore_mem>>) src(%dma_wait3A_58 : memref<100000x128xf32, #tpu.memory_space<hbm>>) dst(%dma_wait3A_52 : memref<128x128xf32, #tpu.memory_space<vmem>>)
    %add3A_59 = arith.constant 9728 : i32
    %add3A_60 = arith.addi %multiple_of3A, %add3A_59 : i32
    %jit3A = arith.constant 16384 : i32
    %div3A = arith.divsi %add3A_60, %jit3A : i32
    %sign3A = arith.constant 0 : i32
    %sign3A_61 = arith.cmpi sgt, %add3A_60, %sign3A : i32
    %sign3A_62 = arith.extui %sign3A_61 : i1 to i32
    %sign3A_63 = arith.constant 0 : i32
    %sign3A_64 = arith.cmpi slt, %add3A_60, %sign3A_63 : i32
    %sign3A_65 = arith.extui %sign3A_64 : i1 to i32
    %sign3A_66 = arith.subi %sign3A_62, %sign3A_65 : i32
    %sign3A_67 = arith.constant 0 : i32
    %sign3A_68 = arith.cmpi sgt, %jit3A, %sign3A_67 : i32
    %sign3A_69 = arith.extui %sign3A_68 : i1 to i32
    %sign3A_70 = arith.constant 0 : i32
    %sign3A_71 = arith.cmpi slt, %jit3A, %sign3A_70 : i32
    %sign3A_72 = arith.extui %sign3A_71 : i1 to i32
    %sign3A_73 = arith.subi %sign3A_69, %sign3A_72 : i32
    %ne3A = arith.cmpi ne, %sign3A_66, %sign3A_73 : i32
    %rem3A = arith.remsi %add3A_60, %jit3A : i32
    %ne3A_74 = arith.constant 0 : i32
    %ne3A_75 = arith.cmpi ne, %rem3A, %ne3A_74 : i32
    %and3A = arith.andi %ne3A, %ne3A_75 : i1
    %sub3A = arith.constant 1 : i32
    %sub3A_76 = arith.subi %div3A, %sub3A : i32
    %select_n3A = arith.select %and3A, %sub3A_76, %div3A : i32
    %mul3A_77 = arith.constant 16384 : i32
    %mul3A_78 = arith.muli %select_n3A, %mul3A_77 : i32
    %sub3A_79 = arith.subi %add3A_60, %mul3A_78 : i32
    %multiple_of3A_80 = tpu.assume_multiple %sub3A_79, 128 : i32
    %dma_start3A_81 = arith.constant 0 : i32
    %dma_start3A_82 = tpu.memref_slice %arg4[%select_n3A, %multiple_of3A_80, %dma_start3A_81] : memref<20x16384x128xf32, #tpu.memory_space<hbm>> -> memref<1x128x128xf32, #tpu.memory_space<hbm>>
    %dma_start3A_83 = tpu.memref_squeeze %dma_start3A_82 : memref<1x128x128xf32, #tpu.memory_space<hbm>> -> memref<128x128xf32, #tpu.memory_space<hbm>>
    %dma_start3A_84 = arith.constant 0 : i32
    %dma_start3A_85 = tpu.memref_slice %arg4[%select_n3A, %multiple_of3A_80, %dma_start3A_84] : memref<20x16384x128xf32, #tpu.memory_space<hbm>> -> memref<1x128x128xf32, #tpu.memory_space<hbm>>
    %dma_start3A_86 = tpu.memref_squeeze %dma_start3A_85 : memref<1x128x128xf32, #tpu.memory_space<hbm>> -> memref<128x128xf32, #tpu.memory_space<hbm>>
    tpu.enqueue_dma source(%arg6 : memref<128x128xf32, #tpu.memory_space<vmem>>) target(%dma_start3A_86 : memref<128x128xf32, #tpu.memory_space<hbm>>) target_semaphore(%arg14 : memref<!tpu.dma_semaphore, #tpu.memory_space<semaphore_mem>>)
    %dma_wait3A_87 = arith.constant 77 : i32
    %dma_wait3A_88 = arith.constant 0 : i32
    %dma_wait3A_89 = arith.constant 0 : i32
    %dma_wait3A_90 = tpu.memref_slice %arg7[%dma_wait3A_88, %dma_wait3A_89] : memref<128x128xf32, #tpu.memory_space<vmem>> -> memref<128x128xf32, #tpu.memory_space<vmem>>
    %dma_wait3A_91 = arith.constant 0 : i32
    %dma_wait3A_92 = tpu.memref_slice %arg5[%dma_wait3A_87, %dma_wait3A_91] : memref<80x128xi32, #tpu.memory_space<vmem>> -> memref<1x128xi32, #tpu.memory_space<vmem>>
    %dma_wait3A_93 = tpu.memref_squeeze %dma_wait3A_92 : memref<1x128xi32, #tpu.memory_space<vmem>> -> memref<128xi32, #tpu.memory_space<vmem>>
    %dma_wait3A_94 = arith.constant 0 : i32
    %dma_wait3A_95 = arith.constant 0 : i32
    %dma_wait3A_96 = tpu.memref_slice %arg2[%dma_wait3A_94, %dma_wait3A_95] : memref<100000x128xf32, #tpu.memory_space<hbm>> -> memref<100000x128xf32, #tpu.memory_space<hbm>>
    tpu.wait_indirect_dma semaphore(%arg11 : memref<!tpu.dma_semaphore, #tpu.memory_space<semaphore_mem>>) src(%dma_wait3A_96 : memref<100000x128xf32, #tpu.memory_space<hbm>>) dst(%dma_wait3A_90 : memref<128x128xf32, #tpu.memory_space<vmem>>)
    %add3A_97 = arith.constant 9856 : i32
    %add3A_98 = arith.addi %multiple_of3A, %add3A_97 : i32
    %jit3A_99 = arith.constant 16384 : i32
    %div3A_100 = arith.divsi %add3A_98, %jit3A_99 : i32
    %sign3A_101 = arith.constant 0 : i32
    %sign3A_102 = arith.cmpi sgt, %add3A_98, %sign3A_101 : i32
    %sign3A_103 = arith.extui %sign3A_102 : i1 to i32
    %sign3A_104 = arith.constant 0 : i32
    %sign3A_105 = arith.cmpi slt, %add3A_98, %sign3A_104 : i32
    %sign3A_106 = arith.extui %sign3A_105 : i1 to i32
    %sign3A_107 = arith.subi %sign3A_103, %sign3A_106 : i32
    %sign3A_108 = arith.constant 0 : i32
    %sign3A_109 = arith.cmpi sgt, %jit3A_99, %sign3A_108 : i32
    %sign3A_110 = arith.extui %sign3A_109 : i1 to i32
    %sign3A_111 = arith.constant 0 : i32
    %sign3A_112 = arith.cmpi slt, %jit3A_99, %sign3A_111 : i32
    %sign3A_113 = arith.extui %sign3A_112 : i1 to i32
    %sign3A_114 = arith.subi %sign3A_110, %sign3A_113 : i32
    %ne3A_115 = arith.cmpi ne, %sign3A_107, %sign3A_114 : i32
    %rem3A_116 = arith.remsi %add3A_98, %jit3A_99 : i32
    %ne3A_117 = arith.constant 0 : i32
    %ne3A_118 = arith.cmpi ne, %rem3A_116, %ne3A_117 : i32
    %and3A_119 = arith.andi %ne3A_115, %ne3A_118 : i1
    %sub3A_120 = arith.constant 1 : i32
    %sub3A_121 = arith.subi %div3A_100, %sub3A_120 : i32
    %select_n3A_122 = arith.select %and3A_119, %sub3A_121, %div3A_100 : i32
    %mul3A_123 = arith.constant 16384 : i32
    %mul3A_124 = arith.muli %select_n3A_122, %mul3A_123 : i32
    %sub3A_125 = arith.subi %add3A_98, %mul3A_124 : i32
    %multiple_of3A_126 = tpu.assume_multiple %sub3A_125, 128 : i32
    %dma_start3A_127 = arith.constant 0 : i32
    %dma_start3A_128 = tpu.memref_slice %arg4[%select_n3A_122, %multiple_of3A_126, %dma_start3A_127] : memref<20x16384x128xf32, #tpu.memory_space<hbm>> -> memref<1x128x128xf32, #tpu.memory_space<hbm>>
    %dma_start3A_129 = tpu.memref_squeeze %dma_start3A_128 : memref<1x128x128xf32, #tpu.memory_space<hbm>> -> memref<128x128xf32, #tpu.memory_space<hbm>>
    %dma_start3A_130 = arith.constant 0 : i32
    %dma_start3A_131 = tpu.memref_slice %arg4[%select_n3A_122, %multiple_of3A_126, %dma_start3A_130] : memref<20x16384x128xf32, #tpu.memory_space<hbm>> -> memref<1x128x128xf32, #tpu.memory_space<hbm>>
    %dma_start3A_132 = tpu.memref_squeeze %dma_start3A_131 : memref<1x128x128xf32, #tpu.memory_space<hbm>> -> memref<128x128xf32, #tpu.memory_space<hbm>>
    tpu.enqueue_dma source(%arg7 : memref<128x128xf32, #tpu.memory_space<vmem>>) target(%dma_start3A_132 : memref<128x128xf32, #tpu.memory_space<hbm>>) target_semaphore(%arg15 : memref<!tpu.dma_semaphore, #tpu.memory_space<semaphore_mem>>)
    %dma_wait3A_133 = arith.constant 78 : i32
    %dma_wait3A_134 = arith.constant 0 : i32
    %dma_wait3A_135 = arith.constant 0 : i32
    %dma_wait3A_136 = tpu.memref_slice %arg8[%dma_wait3A_134, %dma_wait3A_135] : memref<128x128xf32, #tpu.memory_space<vmem>> -> memref<128x128xf32, #tpu.memory_space<vmem>>
    %dma_wait3A_137 = arith.constant 0 : i32
    %dma_wait3A_138 = tpu.memref_slice %arg5[%dma_wait3A_133, %dma_wait3A_137] : memref<80x128xi32, #tpu.memory_space<vmem>> -> memref<1x128xi32, #tpu.memory_space<vmem>>
    %dma_wait3A_139 = tpu.memref_squeeze %dma_wait3A_138 : memref<1x128xi32, #tpu.memory_space<vmem>> -> memref<128xi32, #tpu.memory_space<vmem>>
    %dma_wait3A_140 = arith.constant 0 : i32
    %dma_wait3A_141 = arith.constant 0 : i32
    %dma_wait3A_142 = tpu.memref_slice %arg2[%dma_wait3A_140, %dma_wait3A_141] : memref<100000x128xf32, #tpu.memory_space<hbm>> -> memref<100000x128xf32, #tpu.memory_space<hbm>>
    tpu.wait_indirect_dma semaphore(%arg12 : memref<!tpu.dma_semaphore, #tpu.memory_space<semaphore_mem>>) src(%dma_wait3A_142 : memref<100000x128xf32, #tpu.memory_space<hbm>>) dst(%dma_wait3A_136 : memref<128x128xf32, #tpu.memory_space<vmem>>)
    %add3A_143 = arith.constant 9984 : i32
    %add3A_144 = arith.addi %multiple_of3A, %add3A_143 : i32
    %jit3A_145 = arith.constant 16384 : i32
    %div3A_146 = arith.divsi %add3A_144, %jit3A_145 : i32
    %sign3A_147 = arith.constant 0 : i32
    %sign3A_148 = arith.cmpi sgt, %add3A_144, %sign3A_147 : i32
    %sign3A_149 = arith.extui %sign3A_148 : i1 to i32
    %sign3A_150 = arith.constant 0 : i32
    %sign3A_151 = arith.cmpi slt, %add3A_144, %sign3A_150 : i32
    %sign3A_152 = arith.extui %sign3A_151 : i1 to i32
    %sign3A_153 = arith.subi %sign3A_149, %sign3A_152 : i32
    %sign3A_154 = arith.constant 0 : i32
    %sign3A_155 = arith.cmpi sgt, %jit3A_145, %sign3A_154 : i32
    %sign3A_156 = arith.extui %sign3A_155 : i1 to i32
    %sign3A_157 = arith.constant 0 : i32
    %sign3A_158 = arith.cmpi slt, %jit3A_145, %sign3A_157 : i32
    %sign3A_159 = arith.extui %sign3A_158 : i1 to i32
    %sign3A_160 = arith.subi %sign3A_156, %sign3A_159 : i32
    %ne3A_161 = arith.cmpi ne, %sign3A_153, %sign3A_160 : i32
    %rem3A_162 = arith.remsi %add3A_144, %jit3A_145 : i32
    %ne3A_163 = arith.constant 0 : i32
    %ne3A_164 = arith.cmpi ne, %rem3A_162, %ne3A_163 : i32
    %and3A_165 = arith.andi %ne3A_161, %ne3A_164 : i1
    %sub3A_166 = arith.constant 1 : i32
    %sub3A_167 = arith.subi %div3A_146, %sub3A_166 : i32
    %select_n3A_168 = arith.select %and3A_165, %sub3A_167, %div3A_146 : i32
    %mul3A_169 = arith.constant 16384 : i32
    %mul3A_170 = arith.muli %select_n3A_168, %mul3A_169 : i32
    %sub3A_171 = arith.subi %add3A_144, %mul3A_170 : i32
    %multiple_of3A_172 = tpu.assume_multiple %sub3A_171, 128 : i32
    %dma_start3A_173 = arith.constant 0 : i32
    %dma_start3A_174 = tpu.memref_slice %arg4[%select_n3A_168, %multiple_of3A_172, %dma_start3A_173] : memref<20x16384x128xf32, #tpu.memory_space<hbm>> -> memref<1x128x128xf32, #tpu.memory_space<hbm>>
    %dma_start3A_175 = tpu.memref_squeeze %dma_start3A_174 : memref<1x128x128xf32, #tpu.memory_space<hbm>> -> memref<128x128xf32, #tpu.memory_space<hbm>>
    %dma_start3A_176 = arith.constant 0 : i32
    %dma_start3A_177 = tpu.memref_slice %arg4[%select_n3A_168, %multiple_of3A_172, %dma_start3A_176] : memref<20x16384x128xf32, #tpu.memory_space<hbm>> -> memref<1x128x128xf32, #tpu.memory_space<hbm>>
    %dma_start3A_178 = tpu.memref_squeeze %dma_start3A_177 : memref<1x128x128xf32, #tpu.memory_space<hbm>> -> memref<128x128xf32, #tpu.memory_space<hbm>>
    tpu.enqueue_dma source(%arg8 : memref<128x128xf32, #tpu.memory_space<vmem>>) target(%dma_start3A_178 : memref<128x128xf32, #tpu.memory_space<hbm>>) target_semaphore(%arg16 : memref<!tpu.dma_semaphore, #tpu.memory_space<semaphore_mem>>)
    %dma_wait3A_179 = arith.constant 79 : i32
    %dma_wait3A_180 = arith.constant 0 : i32
    %dma_wait3A_181 = arith.constant 0 : i32
    %dma_wait3A_182 = tpu.memref_slice %arg9[%dma_wait3A_180, %dma_wait3A_181] : memref<128x128xf32, #tpu.memory_space<vmem>> -> memref<128x128xf32, #tpu.memory_space<vmem>>
    %dma_wait3A_183 = arith.constant 0 : i32
    %dma_wait3A_184 = tpu.memref_slice %arg5[%dma_wait3A_179, %dma_wait3A_183] : memref<80x128xi32, #tpu.memory_space<vmem>> -> memref<1x128xi32, #tpu.memory_space<vmem>>
    %dma_wait3A_185 = tpu.memref_squeeze %dma_wait3A_184 : memref<1x128xi32, #tpu.memory_space<vmem>> -> memref<128xi32, #tpu.memory_space<vmem>>
    %dma_wait3A_186 = arith.constant 0 : i32
    %dma_wait3A_187 = arith.constant 0 : i32
    %dma_wait3A_188 = tpu.memref_slice %arg2[%dma_wait3A_186, %dma_wait3A_187] : memref<100000x128xf32, #tpu.memory_space<hbm>> -> memref<100000x128xf32, #tpu.memory_space<hbm>>
    tpu.wait_indirect_dma semaphore(%arg13 : memref<!tpu.dma_semaphore, #tpu.memory_space<semaphore_mem>>) src(%dma_wait3A_188 : memref<100000x128xf32, #tpu.memory_space<hbm>>) dst(%dma_wait3A_182 : memref<128x128xf32, #tpu.memory_space<vmem>>)
    %add3A_189 = arith.constant 10112 : i32
    %add3A_190 = arith.addi %multiple_of3A, %add3A_189 : i32
    %jit3A_191 = arith.constant 16384 : i32
    %div3A_192 = arith.divsi %add3A_190, %jit3A_191 : i32
    %sign3A_193 = arith.constant 0 : i32
    %sign3A_194 = arith.cmpi sgt, %add3A_190, %sign3A_193 : i32
    %sign3A_195 = arith.extui %sign3A_194 : i1 to i32
    %sign3A_196 = arith.constant 0 : i32
    %sign3A_197 = arith.cmpi slt, %add3A_190, %sign3A_196 : i32
    %sign3A_198 = arith.extui %sign3A_197 : i1 to i32
    %sign3A_199 = arith.subi %sign3A_195, %sign3A_198 : i32
    %sign3A_200 = arith.constant 0 : i32
    %sign3A_201 = arith.cmpi sgt, %jit3A_191, %sign3A_200 : i32
    %sign3A_202 = arith.extui %sign3A_201 : i1 to i32
    %sign3A_203 = arith.constant 0 : i32
    %sign3A_204 = arith.cmpi slt, %jit3A_191, %sign3A_203 : i32
    %sign3A_205 = arith.extui %sign3A_204 : i1 to i32
    %sign3A_206 = arith.subi %sign3A_202, %sign3A_205 : i32
    %ne3A_207 = arith.cmpi ne, %sign3A_199, %sign3A_206 : i32
    %rem3A_208 = arith.remsi %add3A_190, %jit3A_191 : i32
    %ne3A_209 = arith.constant 0 : i32
    %ne3A_210 = arith.cmpi ne, %rem3A_208, %ne3A_209 : i32
    %and3A_211 = arith.andi %ne3A_207, %ne3A_210 : i1
    %sub3A_212 = arith.constant 1 : i32
    %sub3A_213 = arith.subi %div3A_192, %sub3A_212 : i32
    %select_n3A_214 = arith.select %and3A_211, %sub3A_213, %div3A_192 : i32
    %mul3A_215 = arith.constant 16384 : i32
    %mul3A_216 = arith.muli %select_n3A_214, %mul3A_215 : i32
    %sub3A_217 = arith.subi %add3A_190, %mul3A_216 : i32
    %multiple_of3A_218 = tpu.assume_multiple %sub3A_217, 128 : i32
    %dma_start3A_219 = arith.constant 0 : i32
    %dma_start3A_220 = tpu.memref_slice %arg4[%select_n3A_214, %multiple_of3A_218, %dma_start3A_219] : memref<20x16384x128xf32, #tpu.memory_space<hbm>> -> memref<1x128x128xf32, #tpu.memory_space<hbm>>
    %dma_start3A_221 = tpu.memref_squeeze %dma_start3A_220 : memref<1x128x128xf32, #tpu.memory_space<hbm>> -> memref<128x128xf32, #tpu.memory_space<hbm>>
    %dma_start3A_222 = arith.constant 0 : i32
    %dma_start3A_223 = tpu.memref_slice %arg4[%select_n3A_214, %multiple_of3A_218, %dma_start3A_222] : memref<20x16384x128xf32, #tpu.memory_space<hbm>> -> memref<1x128x128xf32, #tpu.memory_space<hbm>>
    %dma_start3A_224 = tpu.memref_squeeze %dma_start3A_223 : memref<1x128x128xf32, #tpu.memory_space<hbm>> -> memref<128x128xf32, #tpu.memory_space<hbm>>
    tpu.enqueue_dma source(%arg9 : memref<128x128xf32, #tpu.memory_space<vmem>>) target(%dma_start3A_224 : memref<128x128xf32, #tpu.memory_space<hbm>>) target_semaphore(%arg17 : memref<!tpu.dma_semaphore, #tpu.memory_space<semaphore_mem>>)
    %add3A_225 = arith.constant 9728 : i32
    %add3A_226 = arith.addi %multiple_of3A, %add3A_225 : i32
    %jit3A_227 = arith.constant 16384 : i32
    %div3A_228 = arith.divsi %add3A_226, %jit3A_227 : i32
    %sign3A_229 = arith.constant 0 : i32
    %sign3A_230 = arith.cmpi sgt, %add3A_226, %sign3A_229 : i32
    %sign3A_231 = arith.extui %sign3A_230 : i1 to i32
    %sign3A_232 = arith.constant 0 : i32
    %sign3A_233 = arith.cmpi slt, %add3A_226, %sign3A_232 : i32
    %sign3A_234 = arith.extui %sign3A_233 : i1 to i32
    %sign3A_235 = arith.subi %sign3A_231, %sign3A_234 : i32
    %sign3A_236 = arith.constant 0 : i32
    %sign3A_237 = arith.cmpi sgt, %jit3A_227, %sign3A_236 : i32
    %sign3A_238 = arith.extui %sign3A_237 : i1 to i32
    %sign3A_239 = arith.constant 0 : i32
    %sign3A_240 = arith.cmpi slt, %jit3A_227, %sign3A_239 : i32
    %sign3A_241 = arith.extui %sign3A_240 : i1 to i32
    %sign3A_242 = arith.subi %sign3A_238, %sign3A_241 : i32
    %ne3A_243 = arith.cmpi ne, %sign3A_235, %sign3A_242 : i32
    %rem3A_244 = arith.remsi %add3A_226, %jit3A_227 : i32
    %ne3A_245 = arith.constant 0 : i32
    %ne3A_246 = arith.cmpi ne, %rem3A_244, %ne3A_245 : i32
    %and3A_247 = arith.andi %ne3A_243, %ne3A_246 : i1
    %sub3A_248 = arith.constant 1 : i32
    %sub3A_249 = arith.subi %div3A_228, %sub3A_248 : i32
    %select_n3A_250 = arith.select %and3A_247, %sub3A_249, %div3A_228 : i32
    %mul3A_251 = arith.constant 16384 : i32
    %mul3A_252 = arith.muli %select_n3A_250, %mul3A_251 : i32
    %sub3A_253 = arith.subi %add3A_226, %mul3A_252 : i32
    %multiple_of3A_254 = tpu.assume_multiple %sub3A_253, 128 : i32
    %dma_wait3A_255 = arith.constant 0 : i32
    %dma_wait3A_256 = tpu.memref_slice %arg4[%select_n3A_250, %multiple_of3A_254, %dma_wait3A_255] : memref<20x16384x128xf32, #tpu.memory_space<hbm>> -> memref<1x128x128xf32, #tpu.memory_space<hbm>>
    %dma_wait3A_257 = tpu.memref_squeeze %dma_wait3A_256 : memref<1x128x128xf32, #tpu.memory_space<hbm>> -> memref<128x128xf32, #tpu.memory_space<hbm>>
    %dma_wait3A_258 = arith.constant 0 : i32
    %dma_wait3A_259 = tpu.memref_slice %arg4[%select_n3A_250, %multiple_of3A_254, %dma_wait3A_258] : memref<20x16384x128xf32, #tpu.memory_space<hbm>> -> memref<1x128x128xf32, #tpu.memory_space<hbm>>
    %dma_wait3A_260 = tpu.memref_squeeze %dma_wait3A_259 : memref<1x128x128xf32, #tpu.memory_space<hbm>> -> memref<128x128xf32, #tpu.memory_space<hbm>>
    tpu.wait_dma2 semaphore(%arg14 : memref<!tpu.dma_semaphore, #tpu.memory_space<semaphore_mem>>) src(%arg6 : memref<128x128xf32, #tpu.memory_space<vmem>>) dst(%dma_wait3A_260 : memref<128x128xf32, #tpu.memory_space<hbm>>)
    %add3A_261 = arith.constant 9856 : i32
    %add3A_262 = arith.addi %multiple_of3A, %add3A_261 : i32
    %jit3A_263 = arith.constant 16384 : i32
    %div3A_264 = arith.divsi %add3A_262, %jit3A_263 : i32
    %sign3A_265 = arith.constant 0 : i32
    %sign3A_266 = arith.cmpi sgt, %add3A_262, %sign3A_265 : i32
    %sign3A_267 = arith.extui %sign3A_266 : i1 to i32
    %sign3A_268 = arith.constant 0 : i32
    %sign3A_269 = arith.cmpi slt, %add3A_262, %sign3A_268 : i32
    %sign3A_270 = arith.extui %sign3A_269 : i1 to i32
    %sign3A_271 = arith.subi %sign3A_267, %sign3A_270 : i32
    %sign3A_272 = arith.constant 0 : i32
    %sign3A_273 = arith.cmpi sgt, %jit3A_263, %sign3A_272 : i32
    %sign3A_274 = arith.extui %sign3A_273 : i1 to i32
    %sign3A_275 = arith.constant 0 : i32
    %sign3A_276 = arith.cmpi slt, %jit3A_263, %sign3A_275 : i32
    %sign3A_277 = arith.extui %sign3A_276 : i1 to i32
    %sign3A_278 = arith.subi %sign3A_274, %sign3A_277 : i32
    %ne3A_279 = arith.cmpi ne, %sign3A_271, %sign3A_278 : i32
    %rem3A_280 = arith.remsi %add3A_262, %jit3A_263 : i32
    %ne3A_281 = arith.constant 0 : i32
    %ne3A_282 = arith.cmpi ne, %rem3A_280, %ne3A_281 : i32
    %and3A_283 = arith.andi %ne3A_279, %ne3A_282 : i1
    %sub3A_284 = arith.constant 1 : i32
    %sub3A_285 = arith.subi %div3A_264, %sub3A_284 : i32
    %select_n3A_286 = arith.select %and3A_283, %sub3A_285, %div3A_264 : i32
    %mul3A_287 = arith.constant 16384 : i32
    %mul3A_288 = arith.muli %select_n3A_286, %mul3A_287 : i32
    %sub3A_289 = arith.subi %add3A_262, %mul3A_288 : i32
    %multiple_of3A_290 = tpu.assume_multiple %sub3A_289, 128 : i32
    %dma_wait3A_291 = arith.constant 0 : i32
    %dma_wait3A_292 = tpu.memref_slice %arg4[%select_n3A_286, %multiple_of3A_290, %dma_wait3A_291] : memref<20x16384x128xf32, #tpu.memory_space<hbm>> -> memref<1x128x128xf32, #tpu.memory_space<hbm>>
    %dma_wait3A_293 = tpu.memref_squeeze %dma_wait3A_292 : memref<1x128x128xf32, #tpu.memory_space<hbm>> -> memref<128x128xf32, #tpu.memory_space<hbm>>
    %dma_wait3A_294 = arith.constant 0 : i32
    %dma_wait3A_295 = tpu.memref_slice %arg4[%select_n3A_286, %multiple_of3A_290, %dma_wait3A_294] : memref<20x16384x128xf32, #tpu.memory_space<hbm>> -> memref<1x128x128xf32, #tpu.memory_space<hbm>>
    %dma_wait3A_296 = tpu.memref_squeeze %dma_wait3A_295 : memref<1x128x128xf32, #tpu.memory_space<hbm>> -> memref<128x128xf32, #tpu.memory_space<hbm>>
    tpu.wait_dma2 semaphore(%arg15 : memref<!tpu.dma_semaphore, #tpu.memory_space<semaphore_mem>>) src(%arg7 : memref<128x128xf32, #tpu.memory_space<vmem>>) dst(%dma_wait3A_296 : memref<128x128xf32, #tpu.memory_space<hbm>>)
    %add3A_297 = arith.constant 9984 : i32
    %add3A_298 = arith.addi %multiple_of3A, %add3A_297 : i32
    %jit3A_299 = arith.constant 16384 : i32
    %div3A_300 = arith.divsi %add3A_298, %jit3A_299 : i32
    %sign3A_301 = arith.constant 0 : i32
    %sign3A_302 = arith.cmpi sgt, %add3A_298, %sign3A_301 : i32
    %sign3A_303 = arith.extui %sign3A_302 : i1 to i32
    %sign3A_304 = arith.constant 0 : i32
    %sign3A_305 = arith.cmpi slt, %add3A_298, %sign3A_304 : i32
    %sign3A_306 = arith.extui %sign3A_305 : i1 to i32
    %sign3A_307 = arith.subi %sign3A_303, %sign3A_306 : i32
    %sign3A_308 = arith.constant 0 : i32
    %sign3A_309 = arith.cmpi sgt, %jit3A_299, %sign3A_308 : i32
    %sign3A_310 = arith.extui %sign3A_309 : i1 to i32
    %sign3A_311 = arith.constant 0 : i32
    %sign3A_312 = arith.cmpi slt, %jit3A_299, %sign3A_311 : i32
    %sign3A_313 = arith.extui %sign3A_312 : i1 to i32
    %sign3A_314 = arith.subi %sign3A_310, %sign3A_313 : i32
    %ne3A_315 = arith.cmpi ne, %sign3A_307, %sign3A_314 : i32
    %rem3A_316 = arith.remsi %add3A_298, %jit3A_299 : i32
    %ne3A_317 = arith.constant 0 : i32
    %ne3A_318 = arith.cmpi ne, %rem3A_316, %ne3A_317 : i32
    %and3A_319 = arith.andi %ne3A_315, %ne3A_318 : i1
    %sub3A_320 = arith.constant 1 : i32
    %sub3A_321 = arith.subi %div3A_300, %sub3A_320 : i32
    %select_n3A_322 = arith.select %and3A_319, %sub3A_321, %div3A_300 : i32
    %mul3A_323 = arith.constant 16384 : i32
    %mul3A_324 = arith.muli %select_n3A_322, %mul3A_323 : i32
    %sub3A_325 = arith.subi %add3A_298, %mul3A_324 : i32
    %multiple_of3A_326 = tpu.assume_multiple %sub3A_325, 128 : i32
    %dma_wait3A_327 = arith.constant 0 : i32
    %dma_wait3A_328 = tpu.memref_slice %arg4[%select_n3A_322, %multiple_of3A_326, %dma_wait3A_327] : memref<20x16384x128xf32, #tpu.memory_space<hbm>> -> memref<1x128x128xf32, #tpu.memory_space<hbm>>
    %dma_wait3A_329 = tpu.memref_squeeze %dma_wait3A_328 : memref<1x128x128xf32, #tpu.memory_space<hbm>> -> memref<128x128xf32, #tpu.memory_space<hbm>>
    %dma_wait3A_330 = arith.constant 0 : i32
    %dma_wait3A_331 = tpu.memref_slice %arg4[%select_n3A_322, %multiple_of3A_326, %dma_wait3A_330] : memref<20x16384x128xf32, #tpu.memory_space<hbm>> -> memref<1x128x128xf32, #tpu.memory_space<hbm>>
    %dma_wait3A_332 = tpu.memref_squeeze %dma_wait3A_331 : memref<1x128x128xf32, #tpu.memory_space<hbm>> -> memref<128x128xf32, #tpu.memory_space<hbm>>
    tpu.wait_dma2 semaphore(%arg16 : memref<!tpu.dma_semaphore, #tpu.memory_space<semaphore_mem>>) src(%arg8 : memref<128x128xf32, #tpu.memory_space<vmem>>) dst(%dma_wait3A_332 : memref<128x128xf32, #tpu.memory_space<hbm>>)
    %add3A_333 = arith.constant 10112 : i32
    %add3A_334 = arith.addi %multiple_of3A, %add3A_333 : i32
    %jit3A_335 = arith.constant 16384 : i32
    %div3A_336 = arith.divsi %add3A_334, %jit3A_335 : i32
    %sign3A_337 = arith.constant 0 : i32
    %sign3A_338 = arith.cmpi sgt, %add3A_334, %sign3A_337 : i32
    %sign3A_339 = arith.extui %sign3A_338 : i1 to i32
    %sign3A_340 = arith.constant 0 : i32
    %sign3A_341 = arith.cmpi slt, %add3A_334, %sign3A_340 : i32
    %sign3A_342 = arith.extui %sign3A_341 : i1 to i32
    %sign3A_343 = arith.subi %sign3A_339, %sign3A_342 : i32
    %sign3A_344 = arith.constant 0 : i32
    %sign3A_345 = arith.cmpi sgt, %jit3A_335, %sign3A_344 : i32
    %sign3A_346 = arith.extui %sign3A_345 : i1 to i32
    %sign3A_347 = arith.constant 0 : i32
    %sign3A_348 = arith.cmpi slt, %jit3A_335, %sign3A_347 : i32
    %sign3A_349 = arith.extui %sign3A_348 : i1 to i32
    %sign3A_350 = arith.subi %sign3A_346, %sign3A_349 : i32
    %ne3A_351 = arith.cmpi ne, %sign3A_343, %sign3A_350 : i32
    %rem3A_352 = arith.remsi %add3A_334, %jit3A_335 : i32
    %ne3A_353 = arith.constant 0 : i32
    %ne3A_354 = arith.cmpi ne, %rem3A_352, %ne3A_353 : i32
    %and3A_355 = arith.andi %ne3A_351, %ne3A_354 : i1
    %sub3A_356 = arith.constant 1 : i32
    %sub3A_357 = arith.subi %div3A_336, %sub3A_356 : i32
    %select_n3A_358 = arith.select %and3A_355, %sub3A_357, %div3A_336 : i32
    %mul3A_359 = arith.constant 16384 : i32
    %mul3A_360 = arith.muli %select_n3A_358, %mul3A_359 : i32
    %sub3A_361 = arith.subi %add3A_334, %mul3A_360 : i32
    %multiple_of3A_362 = tpu.assume_multiple %sub3A_361, 128 : i32
    %dma_wait3A_363 = arith.constant 0 : i32
    %dma_wait3A_364 = tpu.memref_slice %arg4[%select_n3A_358, %multiple_of3A_362, %dma_wait3A_363] : memref<20x16384x128xf32, #tpu.memory_space<hbm>> -> memref<1x128x128xf32, #tpu.memory_space<hbm>>
    %dma_wait3A_365 = tpu.memref_squeeze %dma_wait3A_364 : memref<1x128x128xf32, #tpu.memory_space<hbm>> -> memref<128x128xf32, #tpu.memory_space<hbm>>
    %dma_wait3A_366 = arith.constant 0 : i32
    %dma_wait3A_367 = tpu.memref_slice %arg4[%select_n3A_358, %multiple_of3A_362, %dma_wait3A_366] : memref<20x16384x128xf32, #tpu.memory_space<hbm>> -> memref<1x128x128xf32, #tpu.memory_space<hbm>>
    %dma_wait3A_368 = tpu.memref_squeeze %dma_wait3A_367 : memref<1x128x128xf32, #tpu.memory_space<hbm>> -> memref<128x128xf32, #tpu.memory_space<hbm>>
    tpu.wait_dma2 semaphore(%arg17 : memref<!tpu.dma_semaphore, #tpu.memory_space<semaphore_mem>>) src(%arg9 : memref<128x128xf32, #tpu.memory_space<vmem>>) dst(%dma_wait3A_368 : memref<128x128xf32, #tpu.memory_space<hbm>>)
    return
  }
}

</mosaic_0001>

<sc_bundles>
// kernel: kernel.3.cloned.1.call-start
scs
__scs_entry_jumppad:
0x0: {  	(pc) =	sbr.rel $0x88, $3  }
0x1: {  	(tag) =	ssettag $0x0;
	lr =	simm.s32 $0x1  }
0x2: {  	[smem:$0x3F9F] =	sst lr;
	_ =	strace $0xD0000000  }
0x3: {  	_ = 	snop  }
0x4: {  	_ = 	snop  }
0x5: {  	_ = 	snop  }
0x6: {  	_ = 	snop  }
0x7: {  	_ = 	snop  }
__scs_overlays_trampoline_lowered:
0x8: {  	[smem:$0x3FAE] =	sst s0  }
0x9: {  	[smem:$0x3FAF] =	sst s1  }
0xa: {  	[smem:$0x3FB0] =	sst s2  }
0xb: {  	[smem:$0x3FB1] =	sst s3  }
0xc: {  	[smem:$0x3FB2] =	sst s4  }
0xd: {  	[smem:$0x3FB3] =	sst s5  }
0xe: {  	[smem:$0x3FB4] =	sst s6  }
0xf: {  	[smem:$0x3FB5] =	sst s7  }
0x10: {  	[smem:$0x3FB6] =	sst s8  }
0x11: {  	[smem:$0x3FB7] =	sst s9;
	s0 =	simm.s32 @!p0 $0x0  }
0x12: {  	s1 =	sld [smem:$0x3F9D];
	s0 =	simm.s32 @p0 $0x1  }
0x13: {  	[smem:$0x3FB8] =	sst s0;
	s0 =	simm.s32 @!p1 $0x0  }
0x14: {  	s2 =	sld [smem:$0x3F9C];
	s0 =	simm.s32 @p1 $0x1  }
0x15: {  	[smem:$0x3FB9] =	sst s0;
	s0 =	simm.s32 @!p2 $0x0  }
0x16: {  	s3 =	sld [smem:$0x3FDB];
	s0 =	simm.s32 @p2 $0x1  }
0x17: {  	s4 =	simm.s32 $0x1BF5;
	[smem:$0x3FBB] =	sst s0  }
0x18: {  	s0 =	sld [smem:$0x3F9E];
	_ =	swait.ge [sflag:s4], $0x0  }
0x19: {  	s7 =	sld [smem:$0x3F9F]  }
0x1a: {  	s8 =	sadd.s32 $0xFFFFE003, lr  }
0x1b: {  	s9 =	sadd.s32 $0xFFFFFEF7, lr;
	s5 =	simm.s32 $0xFFFFFFFF;
	p2 =	slt.u32 s8, $0xFFFFF086  }
0x1c: {  	p1 =	slt.u32 s9, $0xF7A;
	s5 =	simm.s32 @!p2 $0x0  }
0x1d: {  	s5 =	simm.s32 @p1 $0x1;
	p0 =	seq.s32 s7, s2  }
0x1e: {  	s7 =	smul.u32 @!p0 $0xF7A, s2;
	p2 =	seq.s32 @!p0 s5, $0x0  }
0x1f: {  	s9 =	smul.u32 $0xF7A, s1;
	s8 =	simm.s32 @!p0 $0x1BF5;
	p2 =	por !p2, p0  }
0x20: {  	[sflag:s8] =	ssyncset.s32 @!p0 $0xFFFFF086;
	s6 =	sadd.s32 @!p0 s3, s7;
	s7 =	simm.s32 @!p0 $0x108  }
0x21: {  	s3 =	sadd.s32 s3, s9;
	s6 =	sadd.s32 @!p0 $0x88, s6;
	s7 =	simm.s32 @p2 $0x1082  }
0x22: {  	[simem:s7], [sflag:s8] =	dma.local @!p0 [hbm:s6], $0xF7A  }
0x23: {  	s9 =	sor.u32 $0xD0000000, s2;
	s6 =	simm.s32 $0x108;
	_ =	swait.ge @!p0 [sflag:s8], $0x0  }
0x24: {  	s3 =	sadd.s32 $0x88, s3;
	s6 =	simm.s32 @!p1 $0x1082;
	[sflag:s4] =	ssyncset.s32 $0xFFFFF086  }
0x25: {  	[simem:s6], [sflag:s4] =	dma.local [hbm:s3], $0xF7A  }
0x26: {  	[smem:$0x3F9F] =	sst s1;
	(tag) =	ssettag s2;
	_ =	strace s9  }
0x27: {  	s1 =	sld [smem:$0x3FAF]  }
0x28: {  	s2 =	sld [smem:$0x3FB0]  }
0x29: {  	s4 =	sld [smem:$0x3FB2]  }
0x2a: {  	p0 =	seq.s32 s5, $0x0;
	s5 =	sld [smem:$0x3FB3]  }
0x2b: {  	s6 =	sld [smem:$0x3FB4]  }
0x2c: {  	s7 =	sld [smem:$0x3FB5]  }
0x2d: {  	s3 =	simm.s32 $0x108;
	s8 =	sld [smem:$0x3FB6]  }
0x2e: {  	s3 =	simm.s32 @!p0 $0x1082;
	s9 =	sld [smem:$0x3FB7]  }
0x2f: {  	lr =	sadd.s32 s0, s3;
	s0 =	sld [smem:$0x3FAE]  }
0x30: {  	s3 =	sld [smem:$0x3FB1]  }
0x31: {  	[smem:$0x3FBA] =	sst s10  }
0x32: {  	s10 =	sld [smem:$0x3FB8];
	_ =	sdelay $0x3  }
0x33: {  	p0 =	seq.s32 s10, $0x1;
	s10 =	sld [smem:$0x3FBA];
	_ =	sdelay $0x3  }
0x34: {  	[smem:$0x3FBA] =	sst s10  }
0x35: {  	s10 =	sld [smem:$0x3FB9];
	_ =	sdelay $0x3  }
0x36: {  	p1 =	seq.s32 s10, $0x1;
	s10 =	sld [smem:$0x3FBA];
	_ =	sdelay $0x3  }
0x37: {  	[smem:$0x3FBA] =	sst s10  }
0x38: {  	s10 =	sld [smem:$0x3FBB]  }
0x39: {  	_ = 	snop;
	(pc) =	sbr.ind lr, $3  }
0x3a: {  	_ = 	snop  }
0x3b: {  	_ = 	snop  }
0x3c: {  	p2 =	seq.s32 s10, $0x1;
	s10 =	sld [smem:$0x3FBA]  }
0x3d: {  	_ =	shalt  }
0x3e: {  	_ =	shalt  }
0x3f: {  	_ =	shalt  }
0x40: {  	_ =	shalt  }
0x41: {  	_ =	shalt  }
0x42: {  	_ =	shalt  }
0x43: {  	_ =	shalt  }
0x44: {  	_ =	shalt  }
0x45: {  	_ =	shalt  }
0x46: {  	_ =	shalt  }
0x47: {  	_ =	shalt  }
0x48: {  	_ =	shalt  }
0x49: {  	_ =	shalt  }
0x4a: {  	_ =	shalt  }
0x4b: {  	_ =	shalt  }
0x4c: {  	_ =	shalt  }
0x4d: {  	_ =	shalt  }
0x4e: {  	_ =	shalt  }
0x4f: {  	_ =	shalt  }
0x50: {  	_ =	shalt  }
0x51: {  	_ =	shalt  }
0x52: {  	_ =	shalt  }
0x53: {  	_ =	shalt  }
0x54: {  	_ =	shalt  }
0x55: {  	_ =	shalt  }
0x56: {  	_ =	shalt  }
0x57: {  	_ =	shalt  }
0x58: {  	_ =	shalt  }
0x59: {  	_ =	shalt  }
0x5a: {  	_ =	shalt  }
0x5b: {  	_ =	shalt  }
0x5c: {  	_ =	shalt  }
0x5d: {  	_ =	shalt  }
0x5e: {  	_ =	shalt  }
0x5f: {  	_ =	shalt  }
0x60: {  	_ =	shalt  }
0x61: {  	_ =	shalt  }
0x62: {  	_ =	shalt  }
0x63: {  	_ =	shalt  }
0x64: {  	_ =	shalt  }
0x65: {  	_ =	shalt  }
0x66: {  	_ =	shalt  }
0x67: {  	_ =	shalt  }
0x68: {  	_ =	shalt  }
0x69: {  	_ =	shalt  }
0x6a: {  	_ =	shalt  }
0x6b: {  	_ =	shalt  }
0x6c: {  	_ =	shalt  }
0x6d: {  	_ =	shalt  }
0x6e: {  	_ =	shalt  }
0x6f: {  	_ =	shalt  }
0x70: {  	_ =	shalt  }
0x71: {  	_ =	shalt  }
0x72: {  	_ =	shalt  }
0x73: {  	_ =	shalt  }
0x74: {  	_ =	shalt  }
0x75: {  	_ =	shalt  }
0x76: {  	_ =	shalt  }
0x77: {  	_ =	shalt  }
0x78: {  	_ =	shalt  }
0x79: {  	_ =	shalt  }
0x7a: {  	_ =	shalt  }
0x7b: {  	_ =	shalt  }
0x7c: {  	_ =	shalt  }
0x7d: {  	_ =	shalt  }
0x7e: {  	_ =	shalt  }
0x7f: {  	_ =	shalt  }
0x80: {  	_ =	shalt  }
0x81: {  	_ =	shalt  }
0x82: {  	_ =	shalt  }
0x83: {  	_ =	shalt  }
0x84: {  	_ =	shalt  }
0x85: {  	_ =	shalt  }
0x86: {  	_ =	shalt  }
0x87: {  	_ =	shalt  }
.Lfunc_end0:
.L_simem_size_0:
called_computation_lowered:
.L_overlay_start_0:
0x88: {  	s2 =	sld [smem:$0x3FD9]  }
0x89: {  	s3 =	sld [smem:$0x3FFE];
	_ =	sdelay $0x1  }
0x8a: {  	s1 =	srdreg.scid  }
0x8b: {  	s0 =	sand.u32 $0x1, s1  }
0x8c: {  	s17 =	sshll.u32 s0, $0xA;
	s2 =	sadd.s32 s3, s2  }
0x8d: {  	s2 =	sadd.s32 s2, s17  }
0x8e: {  	[smem:$0x3FC6] =	sst s2  }
0x8f: {  	_ = 	snop  }
0x90: {  	s2 =	sld [smem:$0x3FC8]  }
0x91: {  	s18 =	sld [smem:$0x3FD0];
	(tm) =	ssettm $0x1  }
0x92: {  	s4 =	sld [smem:$0x3FFB];
	_ =	sdelay $0x3  }
0x93: {  	_ =	strace s4  }
0x94: {  	s4 =	sld [smem:$0x3FFC];
	_ =	sdelay $0x3  }
0x95: {  	_ =	strace s4  }
0x96: {  	s4 =	sld [smem:$0x3FFD];
	_ =	sdelay $0x3  }
0x97: {  	_ =	strace s4  }
0x98: {  	_ =	strace $0x8FFFFFFF  }
0x99: {  	s19 =	sld [smem:$0x3FDB];
	_ =	sdelay $0x1  }
0x9a: {  	s5 =	simm.s32 $_scs_section_size  }
0x9b: {  	s6 =	simm.s32 $_size__tile_overlayer_lowered;
	s7 =	simm.s32 $_tile_overlayer_lowered  }
0x9c: {  	s22 =	simm.s32 $0x1BFF;
	s21 =	sshll.u32 s7, $0x1;
	s4 =	sadd.s32 s5, s19  }
0x9d: {  	s8 =	simm.s32 $0x0;
	s20 =	sshll.u32 s6, $0x1;
	s6 =	sadd.s32 s21, s4  }
0x9e: {  	[timem:s8], [sflag:s22] =	dma.local [hbm:s6], s20  }
0x9f: {  	_ =	swait.ge [sflag:s22], s20  }
0xa0: {  	s5 =	ssub.s32 $0x0, s20;
	[sflag:s22] =	ssyncset.done $0x0  }
0xa1: {  	[sflag:s22] =	ssyncadd.s32 s5;
	_ =	sdelay $0x1  }
0xa2: {  	s23 =	simm.s32 $0x1B8B  }
0xa3: {  	_ =	swait.ge [sflag:s23], $0x1  }
0xa4: {  	[sflag:s23] =	ssyncset.done $0x0  }
0xa5: {  	s25 =	simm.s32 $0x1B8E;
	s24 =	sld [smem:$0x3FFE];
	[sflag:s23] =	ssyncadd.s32 $0xFFFFFFFF  }
0xa6: {  	s26 =	simm.s32 $execute0_lowered;
	[smem:$0x3FD2] =	sst s25  }
0xa7: {  	s6 =	sshll.u32 s26, $0x1;
	_ =	strace $0x80000046;
	[dreg:$0x1] =	wrdreg $0xFFFFFFFF  }
0xa8: {  	s28 =	simm.s32 $_size_execute0_lowered;
	s4 =	sadd.s32 s4, s6;
	[dreg:$0x0] =	wrdreg $0x0  }
0xa9: {  	s6 =	sshll.u32 s28, $0x1;
	[dreg:$0x2] =	wrdreg s4  }
0xaa: {  	[dreg:$0x3] =	wrdreg s6  }
0xab: {  	[dreg:$0x4] =	wrdreg $0xC0  }
0xac: {  	_ =	task [dreg:s8], $0x5FFFF  }
0xad: {  	[dreg:$0x1] =	wrdreg $0xFFFFFFFF  }
0xae: {  	[dreg:$0x0] =	wrdreg $0x60  }
0xaf: {  	[dreg:$0x2] =	wrdreg s2  }
0xb0: {  	[dreg:$0x3] =	wrdreg s24  }
0xb1: {  	[dreg:$0x4] =	wrdreg s18  }
0xb2: {  	[dreg:$0x5] =	wrdreg $0x9  }
0xb3: {  	_ =	task.clear_ibuf [dreg:s8], $0x6FFFF;
	_ =	strace $0x90000046  }
0xb4: {  	s29 =	simm.s32 $0x9;
	_ =	strace $0x80000048  }
0xb5: {  	_ =	swait.ge [sflag:s29], $0x1  }
0xb6: {  	[sflag:s29] =	ssyncadd.s32 $0xFFFFFFFF  }
0xb7: {  	_ =	strace $0x90000048  }
0xb8: {  	_ =	sfence  }
0xb9: {  	s30 =	sld [smem:$0x0];
	_ =	sdelay $0x2  }
0xba: {  	s31 =	sshll.u32 s1, $0xD;
	s1 =	sshrl.u32 s1, $0x2  }
0xbb: {  	s3 =	sand.u32 $0x4000, s31;
	s1 =	sadd.s32 s1, s30  }
0xbc: {  	s0 =	sor.u32 s3, s0;
	s1 =	sshll.u32 s1, $0x11  }
0xbd: {  	s0 =	sor.u32 s1, s0  }
0xbe: {  	s0 =	sadd.s32 $0x8F2B, s0  }
0xbf: {  	[sflag:s0] =	ssyncadd.remote.s32 $0x1  }
0xc0: {  	_ =	sfence.sel $0xFFFF  }
0xc1: {  	[dreg:$0x0] =	wrdreg $0xFFFFFFFF;
	(pc) =	sbr.abs _section_cstart, $3  }
0xc2: {  	[dreg:$0x1] =	wrdreg $0xFFFFFFFF  }
0xc3: {  	_ =	task.clear_ibuf [dreg:s8], $0x2FFFF;
	_ =	strace $0x9FFFFFFF  }
0xc4: {  	(tm) =	ssettm $0x7FFFFFFF  }
0xc5: {  	_ =	shalt  }
tec
execute0_lowered:
.L_overlay_start_1:
0x0: {  	(tag) =	ssettag $0x1  }
0x1: {  	s1 =	rddreg [dreg:$0x0]  }
0x2: {  	s2 =	srdreg.scid;
	s4 =	rddreg [dreg:$0x1]  }
0x3: {  	s0 =	stileid.u32;
	s8 =	rddreg [dreg:$0x2]  }
0x4: {  	s3 =	simm.s32 $0x0;
	s13 =	simm.s32 $0x2800;
	s14 =	simm.s32 $0x6800  }
0x5: {  	s15 =	simm.s32 $0x100;
	s16 =	simm.s32 $0xA800;
	s17 =	simm.s32 $0x180  }
0x6: {  	s18 =	simm.s32 $0xE800;
	s19 =	simm.s32 $0x1;
	s20 =	simm.s32 $0x5  }
0x7: {  	s21 =	simm.s32 $0x2;
	s22 =	simm.s32 $0x6;
	s23 =	simm.s32 $0x3  }
0x8: {  	s24 =	simm.s32 $0x7;
	s25 =	simm.s32 $0x4;
	s26 =	simm.s32 $0x8  }
0x9: {  	s6 =	sand.u32 $0x1, s2;
	s29 =	sshll.u32 s0, $0x1;
	s11 =	smul.u32 $0x50000, s0  }
0xa: {  	s28 =	simm.s32 $0x0;
	s5 =	sor.u32 s6, s29;
	s12 =	smul.u32 $0x28000, s6  }
0xb: {  	[smem:$0x7FF] =	sst s3;
	s9 =	ssub.s32 $0x2, s6;
	s7 =	smul.u32 $0x500, s5  }
0xc: {  	s5 =	smul.u32 $0x140000, s5;
	s30 =	sshrl.u32 s9, $0x1;
	s11 =	sadd.s32 s11, s8  }
0xd: {  	_ =	strace $0x80000047;
	s9 =	ssub.s32 s9, s30;
	s31 =	sadd.s32 s12, s11  }
0xe: {  	s11 =	simm.s32 $0x9;
	s12 =	simm.s32 $0x80;
	s5 =	sshrl.u32 s5, $0x3  }
0xf: {  	s4 =	sadd.s32 s7, s4;
	s9 =	smax.u32 s9, $0x1;
	s10 =	sadd.s32 s8, s5  }
0x10: {  	s4 =	sadd.s32 $0x400, s4;
	s5 =	sadd.s32 $0x26000, s10;
	s6 =	sadd.s32 $0x26800, s10  }
0x11: {  	s7 =	sadd.s32 $0x27000, s10;
	s8 =	sadd.s32 $0x27800, s10;
	s10 =	sadd.s32 $0x1800, s31  }
.LBB2_1:
0x12: {  	[tilespmem:s3], [sflag:$0x9] =	stream.linear.gather [hbm4b:s4+s3], $0x2800, $0x38;
	[tilespmem:$0x12800] =	vst v63  }
0x13: {  	_ =	swait.ge [sflag:s11], $0x2800  }
0x14: {  	[sflag:s11] =	ssyncset.done $0x0  }
0x15: {  	[sflag:s11] =	ssyncadd.s32 $0xFFFFD800  }
0x16: {  	[tilespmem:s13], [sflag:$0x1] =	stream.indirect.gather [hbm4b:s1+s12], $0x80, s3, s12, $0xb8;
	[tilespmem:$0x12800] =	vst v63  }
0x17: {  	_ = 	snop  }
0x18: {  	[tilespmem:s14], [sflag:$0x2] =	stream.indirect.gather [hbm4b:s1+s12], $0x80, s12, s12, $0xb8;
	[tilespmem:$0x12800] =	vst v63  }
0x19: {  	_ = 	snop  }
0x1a: {  	[tilespmem:s16], [sflag:$0x3] =	stream.indirect.gather [hbm4b:s1+s12], $0x80, s15, s12, $0xb8;
	[tilespmem:$0x12800] =	vst v63  }
0x1b: {  	_ = 	snop  }
0x1c: {  	[tilespmem:s18], [sflag:$0x4] =	stream.indirect.gather [hbm4b:s1+s12], $0x80, s17, s12, $0xb8;
	[tilespmem:$0x12800] =	vst v63  }
0x1d: {  	_ =	swait.ge [sflag:s19], $0x4000  }
0x1e: {  	[sflag:s19] =	ssyncset.done $0x0  }
0x1f: {  	s29 =	sadd.s32 $0xFFFFE800, s10;
	[sflag:s19] =	ssyncadd.s32 $0xFFFFC000  }
0x20: {  	[hbm4b:s29+s3] =	stream.linear.scatter [tilespmem:s13], [sflag:$0x5], $0x4000, $0x38;
	[tilespmem:$0x12800] =	vst v63  }
0x21: {  	_ =	swait.ge [sflag:s20], $0x4000  }
0x22: {  	[sflag:s20] =	ssyncset.done $0x0  }
0x23: {  	s29 =	simm.s32 $0x200;
	[sflag:s20] =	ssyncadd.s32 $0xFFFFC000  }
0x24: {  	[tilespmem:s13], [sflag:$0x1] =	stream.indirect.gather [hbm4b:s1+s12], $0x80, s29, s12, $0xb8;
	[tilespmem:$0x12800] =	vst v63  }
0x25: {  	_ =	swait.ge [sflag:s21], $0x4000  }
0x26: {  	[sflag:s21] =	ssyncset.done $0x0  }
0x27: {  	s29 =	sadd.s32 $0xFFFFF000, s10;
	[sflag:s21] =	ssyncadd.s32 $0xFFFFC000  }
0x28: {  	[hbm4b:s29+s3] =	stream.linear.scatter [tilespmem:s14], [sflag:$0x6], $0x4000, $0x38;
	[tilespmem:$0x12800] =	vst v63  }
0x29: {  	_ =	swait.ge [sflag:s22], $0x4000  }
0x2a: {  	[sflag:s22] =	ssyncset.done $0x0  }
0x2b: {  	s29 =	simm.s32 $0x280;
	[sflag:s22] =	ssyncadd.s32 $0xFFFFC000  }
0x2c: {  	[tilespmem:s14], [sflag:$0x2] =	stream.indirect.gather [hbm4b:s1+s12], $0x80, s29, s12, $0xb8;
	[tilespmem:$0x12800] =	vst v63  }
0x2d: {  	_ =	swait.ge [sflag:s23], $0x4000  }
0x2e: {  	[sflag:s23] =	ssyncset.done $0x0  }
0x2f: {  	s29 =	sadd.s32 $0xFFFFF800, s10;
	[sflag:s23] =	ssyncadd.s32 $0xFFFFC000  }
0x30: {  	[hbm4b:s29+s3] =	stream.linear.scatter [tilespmem:s16], [sflag:$0x7], $0x4000, $0x38;
	[tilespmem:$0x12800] =	vst v63  }
0x31: {  	_ =	swait.ge [sflag:s24], $0x4000  }
0x32: {  	[sflag:s24] =	ssyncset.done $0x0  }
0x33: {  	s29 =	simm.s32 $0x300;
	[sflag:s24] =	ssyncadd.s32 $0xFFFFC000  }
0x34: {  	[tilespmem:s16], [sflag:$0x3] =	stream.indirect.gather [hbm4b:s1+s12], $0x80, s29, s12, $0xb8;
	[tilespmem:$0x12800] =	vst v63  }
0x35: {  	_ =	swait.ge [sflag:s25], $0x4000  }
0x36: {  	[sflag:s25] =	ssyncset.done $0x0  }
0x37: {  	[sflag:s25] =	ssyncadd.s32 $0xFFFFC000  }
0x38: {  	[hbm4b:s10+s3] =	stream.linear.scatter [tilespmem:s18], [sflag:$0x8], $0x4000, $0x38;
	[tilespmem:$0x12800] =	vst v63  }
0x39: {  	_ =	swait.ge [sflag:s26], $0x4000  }
0x3a: {  	s31 =	simm.s32 $0x380;
	[sflag:s26] =	ssyncset.done $0x0  }
0x3b: {  	s30 =	sadd.s32 $0x2000, s10;
	s29 =	simm.s32 $0x800;
	[sflag:s26] =	ssyncadd.s32 $0xFFFFC000  }
.LBB2_2:
0x3c: {  	[tilespmem:s18], [sflag:$0x4] =	stream.indirect.gather [hbm4b:s1+s12], $0x80, s31, s12, $0xb8;
	[tilespmem:$0x12800] =	vst v63  }
0x3d: {  	s31 =	smov.u32 s29  }
0x3e: {  	p0 =	sne.s32 s29, $0x9000;
	s29 =	sadd.s32 $0x800, s29;
	_ =	swait.ge [sflag:s19], $0x4000  }
0x3f: {  	[sflag:s19] =	ssyncset.done $0x0  }
0x40: {  	s2 =	sadd.s32 $0xFFFFE800, s30;
	[sflag:s19] =	ssyncadd.s32 $0xFFFFC000  }
0x41: {  	[hbm4b:s2+s3] =	stream.linear.scatter [tilespmem:s13], [sflag:$0x5], $0x4000, $0x38;
	[tilespmem:$0x12800] =	vst v63  }
0x42: {  	_ =	swait.ge [sflag:s20], $0x4000  }
0x43: {  	s2 =	sshra.s32 s31, $0x2;
	[sflag:s20] =	ssyncset.done $0x0  }
0x44: {  	s31 =	sadd.s32 $0x200, s2;
	[sflag:s20] =	ssyncadd.s32 $0xFFFFC000  }
0x45: {  	[tilespmem:s13], [sflag:$0x1] =	stream.indirect.gather [hbm4b:s1+s12], $0x80, s31, s12, $0xb8;
	[tilespmem:$0x12800] =	vst v63  }
0x46: {  	_ =	swait.ge [sflag:s21], $0x4000  }
0x47: {  	[sflag:s21] =	ssyncset.done $0x0  }
0x48: {  	s31 =	sadd.s32 $0xFFFFF000, s30;
	[sflag:s21] =	ssyncadd.s32 $0xFFFFC000  }
0x49: {  	[hbm4b:s31+s3] =	stream.linear.scatter [tilespmem:s14], [sflag:$0x6], $0x4000, $0x38;
	[tilespmem:$0x12800] =	vst v63  }
0x4a: {  	_ =	swait.ge [sflag:s22], $0x4000  }
0x4b: {  	[sflag:s22] =	ssyncset.done $0x0  }
0x4c: {  	s31 =	sadd.s32 $0x280, s2;
	[sflag:s22] =	ssyncadd.s32 $0xFFFFC000  }
0x4d: {  	[tilespmem:s14], [sflag:$0x2] =	stream.indirect.gather [hbm4b:s1+s12], $0x80, s31, s12, $0xb8;
	[tilespmem:$0x12800] =	vst v63  }
0x4e: {  	_ =	swait.ge [sflag:s23], $0x4000  }
0x4f: {  	[sflag:s23] =	ssyncset.done $0x0  }
0x50: {  	s31 =	sadd.s32 $0xFFFFF800, s30;
	[sflag:s23] =	ssyncadd.s32 $0xFFFFC000  }
0x51: {  	[hbm4b:s31+s3] =	stream.linear.scatter [tilespmem:s16], [sflag:$0x7], $0x4000, $0x38;
	[tilespmem:$0x12800] =	vst v63  }
0x52: {  	_ =	swait.ge [sflag:s24], $0x4000  }
0x53: {  	[sflag:s24] =	ssyncset.done $0x0  }
0x54: {  	s31 =	sadd.s32 $0x300, s2;
	[sflag:s24] =	ssyncadd.s32 $0xFFFFC000  }
0x55: {  	[tilespmem:s16], [sflag:$0x3] =	stream.indirect.gather [hbm4b:s1+s12], $0x80, s31, s12, $0xb8;
	[tilespmem:$0x12800] =	vst v63  }
0x56: {  	_ =	swait.ge [sflag:s25], $0x4000  }
0x57: {  	[sflag:s25] =	ssyncset.done $0x0  }
.Ltmp0:
0x58: {  	[sflag:s25] =	ssyncadd.s32 $0xFFFFC000;
	(pc) =	sbr.rel @p0 .LBB2_2-.Ltmp0, $4  }
0x59: {  	[hbm4b:s30+s3] =	stream.linear.scatter [tilespmem:s18], [sflag:$0x8], $0x4000, $0x38;
	[tilespmem:$0x12800] =	vst v63  }
0x5a: {  	_ =	swait.ge [sflag:s26], $0x4000  }
0x5b: {  	[sflag:s26] =	ssyncset.done $0x0  }
0x5c: {  	s31 =	sadd.s32 $0x380, s2;
	s30 =	sadd.s32 $0x2000, s30;
	[sflag:s26] =	ssyncadd.s32 $0xFFFFC000  }
0x5d: {  	[tilespmem:s18], [sflag:$0x4] =	stream.indirect.gather [hbm4b:s1+s12], $0x80, s31, s12, $0xb8;
	[tilespmem:$0x12800] =	vst v63  }
0x5e: {  	_ =	swait.ge [sflag:s19], $0x4000  }
0x5f: {  	[sflag:s19] =	ssyncset.done $0x0  }
0x60: {  	[sflag:s19] =	ssyncadd.s32 $0xFFFFC000  }
0x61: {  	[hbm4b:s5+s3] =	stream.linear.scatter [tilespmem:s13], [sflag:$0x5], $0x4000, $0x38;
	[tilespmem:$0x12800] =	vst v63  }
0x62: {  	_ =	swait.ge [sflag:s21], $0x4000  }
0x63: {  	[sflag:s21] =	ssyncset.done $0x0  }
0x64: {  	[sflag:s21] =	ssyncadd.s32 $0xFFFFC000  }
0x65: {  	[hbm4b:s6+s3] =	stream.linear.scatter [tilespmem:s14], [sflag:$0x6], $0x4000, $0x38;
	[tilespmem:$0x12800] =	vst v63  }
0x66: {  	_ =	swait.ge [sflag:s23], $0x4000  }
0x67: {  	[sflag:s23] =	ssyncset.done $0x0  }
0x68: {  	[sflag:s23] =	ssyncadd.s32 $0xFFFFC000  }
0x69: {  	[hbm4b:s7+s3] =	stream.linear.scatter [tilespmem:s16], [sflag:$0x7], $0x4000, $0x38;
	[tilespmem:$0x12800] =	vst v63  }
0x6a: {  	_ =	swait.ge [sflag:s25], $0x4000  }
0x6b: {  	[sflag:s25] =	ssyncset.done $0x0  }
0x6c: {  	[sflag:s25] =	ssyncadd.s32 $0xFFFFC000  }
0x6d: {  	[hbm4b:s8+s3] =	stream.linear.scatter [tilespmem:s18], [sflag:$0x8], $0x4000, $0x38;
	[tilespmem:$0x12800] =	vst v63  }
0x6e: {  	_ =	swait.ge [sflag:s20], $0x4000  }
0x6f: {  	[sflag:s20] =	ssyncset.done $0x0  }
0x70: {  	[sflag:s20] =	ssyncadd.s32 $0xFFFFC000  }
0x71: {  	_ =	swait.ge [sflag:s22], $0x4000  }
0x72: {  	[sflag:s22] =	ssyncset.done $0x0  }
0x73: {  	s28 =	sadd.s32 $0x1, s28;
	[sflag:s22] =	ssyncadd.s32 $0xFFFFC000  }
0x74: {  	p0 =	sne.s32 s28, s9;
	_ =	swait.ge [sflag:s24], $0x4000  }
.Ltmp1:
0x75: {  	[sflag:s24] =	ssyncset.done $0x0;
	(pc) =	sbr.rel @p0 .LBB2_1-.Ltmp1, $4  }
0x76: {  	[sflag:s24] =	ssyncadd.s32 $0xFFFFC000  }
0x77: {  	_ =	swait.ge [sflag:s26], $0x4000  }
0x78: {  	[sflag:s26] =	ssyncset.done $0x0  }
0x79: {  	[sflag:s26] =	ssyncadd.s32 $0xFFFFC000  }
0x7a: {  	_ =	sfence.sel $0x180000  }
0x7b: {  	[bflag:$0x0] =	sbarrier.arrive $0xFFFF  }
0x7c: {  	_ =	strace $0x90000047  }
0x7d: {  	[bflag:$0x2] =	sbarrier.arrive $0xFFFF  }
0x7e: {  	p0 =	sne.s32 s0, $0x0;
	s0 =	rddreg [dreg:$0x3]  }
0x7f: {  	s0 =	sadd.s32 @!p0 $0x100000, s0  }
0x80: {  	[sflag:s0] =	ssyncadd.tile.s32 @!p0 $0x1;
	_ =	shalt  }
.Lfunc_end2:
_tile_overlayer_lowered:
.L_overlay_start_2:
0x81: {  	(tag) =	ssettag $0x2  }
0x82: {  	s0 =	rddreg [dreg:$0x0];
	s2 =	stileid.u32  }
0x83: {  	s1 =	rddreg [dreg:$0x1];
	p0 =	sne.s32 s2, $0x0  }
0x84: {  	s3 =	rddreg [dreg:$0x2];
	[bflag:$0x3] =	sbarrier.arrive $0xFFFF;
	s2 =	simm.s32 @!p0 $0x1C09  }
0x85: {  	[timem:s3], [sflag:s2] =	dma.local @!p0 [hbm:s0], s1  }
0x86: {  	s0 =	simm.s32 @!p0 $0x9  }
0x87: {  	_ =	swait.ge @!p0 [sflag:s0], s1  }
0x88: {  	s1 =	ssub.s32 @!p0 $0x0, s1;
	[sflag:s0] =	ssyncset.done @!p0 $0x0  }
0x89: {  	[sflag:s0] =	ssyncadd.s32 @!p0 s1  }
0x8a: {  	[bflag:$0x3] =	sbarrier.arrive $0xFFFF  }
0x8b: {  	_ =	shalt  }

</sc_bundles>
